<compile_context>
chip_gen: v7x
topology: tpu7x:2x2x1
jax: 0.10.2.dev20260603
libtpu: 0.0.44.dev20260713+nightly
codegen_flags: <defaults>
</compile_context>

<pallas_src>
import functools

import jax
import jax.numpy as jnp
from jax import lax
from jax.experimental import pallas as pl
from jax.experimental.pallas import tpu as pltpu
from jax.experimental.pallas import tpu_sc as plsc

NC, NS, LANES = 2, 16, 16
NW = NC * NS
CHUNK = 125

_N, _D, _H, _E = 10000, 128, 32, 320000
_NPAD = 10240
_EPT = _E // NW
_CPT = _EPT // CHUNK
_RPT = _NPAD // NS
_ZR = 128
_PPAD = 5120
_PPT = _PPAD // NS
_EPP = _PPAD // NW
NBUF = 8



def _enc_body(x_ref, w_ref, b_ref, o_ref):
    acc = jnp.dot(x_ref[...], w_ref[...], preferred_element_type=jnp.float32)
    o_ref[...] = jnp.maximum(acc + b_ref[...], 0.0)


def _encoder(x, w_t, b2):
    n, d = x.shape
    h = w_t.shape[1]
    bn = n // 2
    return pl.pallas_call(
        _enc_body,
        grid=(n // bn,),
        in_specs=[
            pl.BlockSpec((bn, d), lambda i: (i, 0)),
            pl.BlockSpec((d, h), lambda i: (0, 0)),
            pl.BlockSpec((1, h), lambda i: (0, 0)),
        ],
        out_specs=pl.BlockSpec((bn, h), lambda i: (i, 0)),
        out_shape=jax.ShapeDtypeStruct((n, h), jnp.float32),
    )(x, w_t, b2)



_MESH = plsc.VectorSubcoreMesh(core_axis_name="c", subcore_axis_name="s")


@functools.partial(
    pl.kernel,
    out_type=(
        jax.ShapeDtypeStruct((NC, _PPAD, _H), jnp.float32),
        jax.ShapeDtypeStruct((_PPAD, _H), jnp.float32),
    ),
    mesh=_MESH,
    scratch_types=[
        pltpu.VMEM((_CPT, CHUNK), jnp.int32),
        pltpu.VMEM((_CPT, CHUNK), jnp.int32),
        pltpu.VMEM((NBUF, CHUNK, _H), jnp.float32),
        pltpu.VMEM((_ZR, _H), jnp.float32),
        pltpu.VMEM_SHARED((_NPAD, _H), jnp.float32),
        pltpu.VMEM((_PPT,), jnp.int32),
        pltpu.VMEM((_PPT, _H), jnp.float32),
        pltpu.VMEM((_EPP,), jnp.int32),
        pltpu.VMEM((_EPP, _H), jnp.float32),
        pltpu.SemaphoreType.DMA((NBUF,)),
        pltpu.SemaphoreType.DMA((NBUF,)),
        pltpu.SemaphoreType.DMA,
    ],
    compiler_params=pltpu.CompilerParams(use_tc_tiling_on_sc=False),
)
def _sc_messages(emb_hbm, ei_hbm, pm_hbm, gp_hbm, ge_hbm,
                 src_v, dst_v, rows_v, z_v, acc_sh,
                 pmp_v, pout_v, pme_v, eout_v, gsem, ssem, psem):
    cid = lax.axis_index("c")
    sid = lax.axis_index("s")
    wid = cid * NS + sid

    cp_src = pltpu.async_copy(ei_hbm.at[0, wid], src_v, psem)
    cp_dst = pltpu.async_copy(ei_hbm.at[1, wid], dst_v, psem)
    cp_pmp = pltpu.async_copy(pm_hbm.at[pl.ds(sid * _PPT, _PPT)], pmp_v, psem)
    cp_pme = pltpu.async_copy(pm_hbm.at[pl.ds(wid * _EPP, _EPP)], pme_v, psem)

    zero16 = jnp.zeros((16,), jnp.float32)

    def zfill(i, carry):
        z_v[i, pl.ds(0, 16)] = zero16
        z_v[i, pl.ds(16, 16)] = zero16
        return carry

    lax.fori_loop(0, _ZR, zfill, 0)

    def zcopy(r, carry):
        pltpu.sync_copy(z_v, acc_sh.at[pl.ds(sid * _RPT + r * _ZR, _ZR)])
        return carry

    lax.fori_loop(0, _RPT // _ZR, zcopy, 0)
    cp_src.wait()
    cp_dst.wait()
    cp_pmp.wait()
    cp_pme.wait()
    plsc.subcore_barrier()

    def _src_at(j):
        return src_v.at[j]

    def _dst_at(j):
        return dst_v.at[j]

    for b in range(NBUF - 1):
        pltpu.async_copy(emb_hbm.at[_src_at(b)], rows_v.at[b], gsem.at[b])

    def group(g, carry):
        for b in range(NBUF):
            j = g * NBUF + b
            bp = (b - 1) % NBUF
            pltpu.make_async_copy(
                emb_hbm.at[_src_at(j)], rows_v.at[b], gsem.at[b]).wait()
            pltpu.async_copy(
                rows_v.at[b], acc_sh.at[_dst_at(j)], ssem.at[b], add=True)

            @pl.when(j >= 1)
            def _wait_prev():
                pltpu.make_async_copy(
                    rows_v.at[bp], acc_sh.at[_dst_at(j - 1)],
                    ssem.at[bp]).wait()

            @pl.when(j + NBUF - 1 < _CPT)
            def _fire_next():
                pltpu.async_copy(emb_hbm.at[_src_at(j + NBUF - 1)],
                                 rows_v.at[bp], gsem.at[bp])
        return carry

    lax.fori_loop(0, _CPT // NBUF, group, 0)
    pltpu.make_async_copy(rows_v.at[NBUF - 1],
                          acc_sh.at[_dst_at(_CPT - 1)],
                          ssem.at[NBUF - 1]).wait()
    plsc.subcore_barrier()

    for k in range(4):
        pltpu.async_copy(acc_sh.at[pmp_v.at[pl.ds(k * 80, 80)]],
                         pout_v.at[pl.ds(k * 80, 80)], gsem.at[k])
    for k in range(2):
        pltpu.async_copy(emb_hbm.at[pme_v.at[pl.ds(k * 80, 80)]],
                         eout_v.at[pl.ds(k * 80, 80)], gsem.at[4 + k])
    for k in range(4):
        pltpu.make_async_copy(acc_sh.at[pmp_v.at[pl.ds(k * 80, 80)]],
                              pout_v.at[pl.ds(k * 80, 80)], gsem.at[k]).wait()
    for k in range(2):
        pltpu.make_async_copy(emb_hbm.at[pme_v.at[pl.ds(k * 80, 80)]],
                              eout_v.at[pl.ds(k * 80, 80)],
                              gsem.at[4 + k]).wait()
    pltpu.sync_copy(pout_v, gp_hbm.at[cid, pl.ds(sid * _PPT, _PPT)])
    pltpu.sync_copy(eout_v, ge_hbm.at[pl.ds(wid * _EPP, _EPP)])



def _head_body(e_ref, p_ref, wc_ref, bc_ref, wo_ref, bo_ref, o_ref):
    h = e_ref[...] + p_ref[0] + p_ref[1]
    e2 = jnp.maximum(
        jnp.dot(h, wc_ref[...], preferred_element_type=jnp.float32)
        + bc_ref[...], 0.0)
    z = jnp.dot(e2, wo_ref[...], preferred_element_type=jnp.float32)
    o_ref[...] = jax.nn.sigmoid(z + bo_ref[...])


def _head(ge, gp, wc_t, bc2, wo_row, bo2):
    n, h = ge.shape
    return pl.pallas_call(
        _head_body,
        grid=(1,),
        in_specs=[
            pl.BlockSpec((n, h), lambda i: (0, 0)),
            pl.BlockSpec((NC, n, h), lambda i: (0, 0, 0)),
            pl.BlockSpec((h, h), lambda i: (0, 0)),
            pl.BlockSpec((1, h), lambda i: (0, 0)),
            pl.BlockSpec((h, 1), lambda i: (0, 0)),
            pl.BlockSpec((1, 1), lambda i: (0, 0)),
        ],
        out_specs=pl.BlockSpec((n, 1), lambda i: (0, 0)),
        out_shape=jax.ShapeDtypeStruct((n, 1), jnp.float32),
    )(ge, gp, wc_t, bc2, wo_row, bo2)



def kernel(node_features, edge_index, post_mask,
           W_enc, b_enc, W_conv, b_conv, W_out, b_out):
    n, d = node_features.shape
    h = W_enc.shape[0]
    p = post_mask.shape[0]

    node_emb = _encoder(node_features, W_enc.T, b_enc.reshape(1, h))

    ei4 = edge_index.reshape(2, NW, _CPT, CHUNK)
    pm_pad = jnp.pad(post_mask, (0, _PPAD - p))
    gp, ge = _sc_messages(node_emb, ei4, pm_pad)

    s = _head(ge, gp,
              W_conv.T, b_conv.reshape(1, h),
              W_out.T, b_out.reshape(1, 1))
    return s.reshape(-1)[:p]

# --- scband reference (transcript-rebuilt; emitter-appended) ---
"""Pipeline reference for scband-simple-gcn-37460704755814 (READ-ONLY COPY).

The authoritative reference and input builder live on the scoring server;
editing this copy changes nothing except your own understanding.
"""

import jax, jax.numpy as jnp
import numpy as np

N, D, H, E, P = 10000, 128, 32, 320000, 5000


def setup_inputs(seed: int = 0) -> dict:
    key = jax.random.key(seed)
    ks = jax.random.split(key, 10)
    node_features = jax.random.normal(ks[0], (N, D), dtype=jnp.float32)
    edge_index = jax.random.randint(ks[1], (2, E), 0, N, dtype=jnp.int32)
    post_mask = jax.random.randint(ks[2], (P,), 0, N, dtype=jnp.int32)
    # parameters (torch.nn.Linear layout: W [out, in], b [out])
    W_enc = jax.random.normal(ks[3], (H, D), dtype=jnp.float32) / np.sqrt(D)
    b_enc = jax.random.normal(ks[4], (H,), dtype=jnp.float32) * 0.01
    W_conv = jax.random.normal(ks[5], (H, H), dtype=jnp.float32) / np.sqrt(H)
    b_conv = jax.random.normal(ks[6], (H,), dtype=jnp.float32) * 0.01
    W_out = jax.random.normal(ks[7], (1, H), dtype=jnp.float32) / np.sqrt(H)
    b_out = jax.random.normal(ks[8], (1,), dtype=jnp.float32) * 0.01
    return {
        "node_features": node_features,
        "edge_index": edge_index,
        "post_mask": post_mask,
        "W_enc": W_enc,
        "b_enc": b_enc,
        "W_conv": W_conv,
        "b_conv": b_conv,
        "W_out": W_out,
        "b_out": b_out,
    }


def reference(node_features, edge_index, post_mask, W_enc, b_enc, W_conv, b_conv, W_out, b_out):
    # encoder + relu
    node_emb = jax.nn.relu(node_features @ W_enc.T + b_enc)
    # message passing: the torch per-edge loop is exactly a scatter-add
    src = edge_index[0]
    dst = edge_index[1]
    messages = jnp.zeros_like(node_emb).at[dst].add(node_emb[src])
    # conv + relu
    node_emb2 = jax.nn.relu((node_emb + messages) @ W_conv.T + b_conv)
    # gather post nodes
    post_emb = node_emb2[post_mask]
    # output head
    out = jax.nn.sigmoid((post_emb @ W_out.T + b_out).squeeze(-1))
    return out

if __name__ == "__main__":
    import jax
    _d = setup_inputs()
    print(jax.jit(kernel)(*tuple(_d.values())))

</pallas_src>

<mosaic_0001>
#map = affine_map<(d0, d1) -> (0, 0)>
#map1 = affine_map<(d0, d1) -> (0, 0, 0, 0)>
#map2 = affine_map<(d0, d1) -> (0)>
#map3 = affine_map<(d0, d1) -> (0, 0, 0)>
module attributes {stable_mosaic.version = 14 : i64} {
  func.func @_sc_messages(%arg0: i32, %arg1: i32, %arg2: memref<10000x32xf32, #tpu.memory_space<hbm>>, %arg3: memref<2x32x80x125xi32, #tpu.memory_space<hbm>>, %arg4: memref<5120xi32, #tpu.memory_space<hbm>>, %arg5: memref<2x5120x32xf32, #tpu.memory_space<hbm>>, %arg6: memref<5120x32xf32, #tpu.memory_space<hbm>>, %arg7: memref<80x125xi32, #tpu.memory_space<vmem>>, %arg8: memref<80x125xi32, #tpu.memory_space<vmem>>, %arg9: memref<8x125x32xf32, #tpu.memory_space<vmem>>, %arg10: memref<128x32xf32, #tpu.memory_space<vmem>>, %arg11: memref<10240x32xf32, #tpu.memory_space<vmem_shared>>, %arg12: memref<320xi32, #tpu.memory_space<vmem>>, %arg13: memref<320x32xf32, #tpu.memory_space<vmem>>, %arg14: memref<160xi32, #tpu.memory_space<vmem>>, %arg15: memref<160x32xf32, #tpu.memory_space<vmem>>, %arg16: memref<8x!tpu.dma_semaphore, #tpu.memory_space<semaphore_mem>>, %arg17: memref<8x!tpu.dma_semaphore, #tpu.memory_space<semaphore_mem>>, %arg18: memref<!tpu.dma_semaphore, #tpu.memory_space<semaphore_mem>>) attributes {dimension_semantics = [#tpu.dimension_semantics<core_parallel>, #tpu.dimension_semantics<subcore_parallel>], iteration_bounds = array<i64: 2, 16>, scalar_prefetch = 0 : i64, scratch_operands = 12 : i64, tpu.core_type = #tpu.core_type<sc_vector_subcore>, window_params = [{transform_indices = #map}, {transform_indices = #map1}, {transform_indices = #map2}, {transform_indices = #map3}, {transform_indices = #map}]} {
    %mul3A = arith.constant 16 : i32
    %mul3A_0 = arith.muli %arg0, %mul3A : i32
    %add3A = arith.addi %mul3A_0, %arg1 : i32
    %dma_start3A = arith.constant 0 : i32
    %dma_start3A_1 = arith.constant 0 : i32
    %dma_start3A_2 = arith.constant 0 : i32
    %dma_start3A_3 = tpu.memref_slice %arg3[%dma_start3A, %add3A, %dma_start3A_1, %dma_start3A_2] : memref<2x32x80x125xi32, #tpu.memory_space<hbm>> -> memref<1x1x80x125xi32, #tpu.memory_space<hbm>>
    %dma_start3A_4 = tpu.memref_squeeze %dma_start3A_3 : memref<1x1x80x125xi32, #tpu.memory_space<hbm>> -> memref<80x125xi32, #tpu.memory_space<hbm>>
    %dma_start3A_5 = arith.constant 0 : i32
    %dma_start3A_6 = arith.constant 0 : i32
    %dma_start3A_7 = tpu.memref_slice %arg3[%dma_start3A, %add3A, %dma_start3A_5, %dma_start3A_6] : memref<2x32x80x125xi32, #tpu.memory_space<hbm>> -> memref<1x1x80x125xi32, #tpu.memory_space<hbm>>
    %dma_start3A_8 = tpu.memref_squeeze %dma_start3A_7 : memref<1x1x80x125xi32, #tpu.memory_space<hbm>> -> memref<80x125xi32, #tpu.memory_space<hbm>>
    tpu.enqueue_dma source(%dma_start3A_8 : memref<80x125xi32, #tpu.memory_space<hbm>>) target(%arg7 : memref<80x125xi32, #tpu.memory_space<vmem>>) target_semaphore(%arg18 : memref<!tpu.dma_semaphore, #tpu.memory_space<semaphore_mem>>)
    %dma_start3A_9 = arith.constant 1 : i32
    %dma_start3A_10 = arith.constant 0 : i32
    %dma_start3A_11 = arith.constant 0 : i32
    %dma_start3A_12 = tpu.memref_slice %arg3[%dma_start3A_9, %add3A, %dma_start3A_10, %dma_start3A_11] : memref<2x32x80x125xi32, #tpu.memory_space<hbm>> -> memref<1x1x80x125xi32, #tpu.memory_space<hbm>>
    %dma_start3A_13 = tpu.memref_squeeze %dma_start3A_12 : memref<1x1x80x125xi32, #tpu.memory_space<hbm>> -> memref<80x125xi32, #tpu.memory_space<hbm>>
    %dma_start3A_14 = arith.constant 0 : i32
    %dma_start3A_15 = arith.constant 0 : i32
    %dma_start3A_16 = tpu.memref_slice %arg3[%dma_start3A_9, %add3A, %dma_start3A_14, %dma_start3A_15] : memref<2x32x80x125xi32, #tpu.memory_space<hbm>> -> memref<1x1x80x125xi32, #tpu.memory_space<hbm>>
    %dma_start3A_17 = tpu.memref_squeeze %dma_start3A_16 : memref<1x1x80x125xi32, #tpu.memory_space<hbm>> -> memref<80x125xi32, #tpu.memory_space<hbm>>
    tpu.enqueue_dma source(%dma_start3A_17 : memref<80x125xi32, #tpu.memory_space<hbm>>) target(%arg8 : memref<80x125xi32, #tpu.memory_space<vmem>>) target_semaphore(%arg18 : memref<!tpu.dma_semaphore, #tpu.memory_space<semaphore_mem>>)
    %mul3A_18 = arith.constant 320 : i32
    %mul3A_19 = arith.muli %arg1, %mul3A_18 : i32
    %dma_start3A_20 = tpu.memref_slice %arg4[%mul3A_19] : memref<5120xi32, #tpu.memory_space<hbm>> -> memref<320xi32, #tpu.memory_space<hbm>>
    %dma_start3A_21 = tpu.memref_slice %arg4[%mul3A_19] : memref<5120xi32, #tpu.memory_space<hbm>> -> memref<320xi32, #tpu.memory_space<hbm>>
    tpu.enqueue_dma source(%dma_start3A_21 : memref<320xi32, #tpu.memory_space<hbm>>) target(%arg12 : memref<320xi32, #tpu.memory_space<vmem>>) target_semaphore(%arg18 : memref<!tpu.dma_semaphore, #tpu.memory_space<semaphore_mem>>)
    %mul3A_22 = arith.constant 160 : i32
    %mul3A_23 = arith.muli %add3A, %mul3A_22 : i32
    %dma_start3A_24 = tpu.memref_slice %arg4[%mul3A_23] : memref<5120xi32, #tpu.memory_space<hbm>> -> memref<160xi32, #tpu.memory_space<hbm>>
    %dma_start3A_25 = tpu.memref_slice %arg4[%mul3A_23] : memref<5120xi32, #tpu.memory_space<hbm>> -> memref<160xi32, #tpu.memory_space<hbm>>
    tpu.enqueue_dma source(%dma_start3A_25 : memref<160xi32, #tpu.memory_space<hbm>>) target(%arg14 : memref<160xi32, #tpu.memory_space<vmem>>) target_semaphore(%arg18 : memref<!tpu.dma_semaphore, #tpu.memory_space<semaphore_mem>>)
    %broadcast_in_dim3A = arith.constant 0.000000e+00 : f32
    %broadcast_in_dim3A_26 = vector.broadcast %broadcast_in_dim3A : f32 to vector<16xf32>
    %scan3A = arith.constant 0 : i32
    %scan3A_27 = arith.constant 0 : i32
    %scan3A_28 = arith.constant 128 : i32
    %scan3A_29 = arith.addi %scan3A_27, %scan3A_28 : i32
    %scan3A_30 = arith.constant 1 : i32
    scf.for %scan3A_322 = %scan3A_27 to %scan3A_29 step %scan3A_30  : i32 {
      %swap3A = arith.index_cast %scan3A_322 : i32 to index
      %swap3A_323 = arith.constant 0 : index
      %swap3A_324 = tpu.vector_load %arg10[%swap3A, %swap3A_323] {strides = array<i32>} : memref<128x32xf32, #tpu.memory_space<vmem>>, vector<1x16xf32>,
      %swap3A_325 = vector.shape_cast %swap3A_324 : vector<1x16xf32> to vector<16xf32>
      %swap3A_326 = vector.shape_cast %broadcast_in_dim3A_26 : vector<16xf32> to vector<1x16xf32>
      tpu.vector_store %arg10[%swap3A, %swap3A_323], %swap3A_326 {strides = array<i32>} : memref<128x32xf32, #tpu.memory_space<vmem>>, vector<1x16xf32>,
      %swap3A_327 = arith.index_cast %scan3A_322 : i32 to index
      %swap3A_328 = arith.constant 16 : index
      %swap3A_329 = tpu.vector_load %arg10[%swap3A_327, %swap3A_328] {strides = array<i32>} : memref<128x32xf32, #tpu.memory_space<vmem>>, vector<1x16xf32>,
      %swap3A_330 = vector.shape_cast %swap3A_329 : vector<1x16xf32> to vector<16xf32>
      %swap3A_331 = vector.shape_cast %broadcast_in_dim3A_26 : vector<16xf32> to vector<1x16xf32>
      tpu.vector_store %arg10[%swap3A_327, %swap3A_328], %swap3A_331 {strides = array<i32>} : memref<128x32xf32, #tpu.memory_space<vmem>>, vector<1x16xf32>,
    }
    %scan3A_31 = arith.constant 128 : i32
    %scan3A_32 = arith.constant 0 : i32
    %scan3A_33 = arith.constant 0 : i32
    %scan3A_34 = arith.constant 5 : i32
    %scan3A_35 = arith.addi %scan3A_33, %scan3A_34 : i32
    %scan3A_36 = arith.constant 1 : i32
    scf.for %scan3A_322 = %scan3A_33 to %scan3A_35 step %scan3A_36  : i32 {
      %mul3A_323 = arith.constant 640 : i32
      %mul3A_324 = arith.muli %arg1, %mul3A_323 : i32
      %mul3A_325 = arith.constant 128 : i32
      %mul3A_326 = arith.muli %scan3A_322, %mul3A_325 : i32
      %add3A_327 = arith.addi %mul3A_324, %mul3A_326 : i32
      "tpu.region"() ({
        %run_scoped3A = tpu.sem_alloc : memref<!tpu.dma_semaphore, #tpu.memory_space<semaphore_mem>>
        %dma_start3A_328 = arith.constant 0 : i32
        %dma_start3A_329 = tpu.memref_slice %arg11[%add3A_327, %dma_start3A_328] : memref<10240x32xf32, #tpu.memory_space<vmem_shared>> -> memref<128x32xf32, #tpu.memory_space<vmem_shared>>
        %dma_start3A_330 = arith.constant 0 : i32
        %dma_start3A_331 = tpu.memref_slice %arg11[%add3A_327, %dma_start3A_330] : memref<10240x32xf32, #tpu.memory_space<vmem_shared>> -> memref<128x32xf32, #tpu.memory_space<vmem_shared>>
        tpu.enqueue_dma source(%arg10 : memref<128x32xf32, #tpu.memory_space<vmem>>) target(%dma_start3A_331 : memref<128x32xf32, #tpu.memory_space<vmem_shared>>) target_semaphore(%run_scoped3A : memref<!tpu.dma_semaphore, #tpu.memory_space<semaphore_mem>>)
        %dma_wait3A_332 = arith.constant 0 : i32
        %dma_wait3A_333 = tpu.memref_slice %arg11[%add3A_327, %dma_wait3A_332] : memref<10240x32xf32, #tpu.memory_space<vmem_shared>> -> memref<128x32xf32, #tpu.memory_space<vmem_shared>>
        %dma_wait3A_334 = arith.constant 0 : i32
        %dma_wait3A_335 = tpu.memref_slice %arg11[%add3A_327, %dma_wait3A_334] : memref<10240x32xf32, #tpu.memory_space<vmem_shared>> -> memref<128x32xf32, #tpu.memory_space<vmem_shared>>
        tpu.wait_dma2 semaphore(%run_scoped3A : memref<!tpu.dma_semaphore, #tpu.memory_space<semaphore_mem>>) src(%arg10 : memref<128x32xf32, #tpu.memory_space<vmem>>) dst(%dma_wait3A_335 : memref<128x32xf32, #tpu.memory_space<vmem_shared>>)
        tpu.yield
      }) : () -> ()
    }
    %scan3A_37 = arith.constant 5 : i32
    %dma_wait3A = arith.constant 0 : i32
    %dma_wait3A_38 = arith.constant 0 : i32
    %dma_wait3A_39 = arith.constant 0 : i32
    %dma_wait3A_40 = tpu.memref_slice %arg3[%dma_wait3A, %add3A, %dma_wait3A_38, %dma_wait3A_39] : memref<2x32x80x125xi32, #tpu.memory_space<hbm>> -> memref<1x1x80x125xi32, #tpu.memory_space<hbm>>
    %dma_wait3A_41 = tpu.memref_squeeze %dma_wait3A_40 : memref<1x1x80x125xi32, #tpu.memory_space<hbm>> -> memref<80x125xi32, #tpu.memory_space<hbm>>
    %dma_wait3A_42 = arith.constant 0 : i32
    %dma_wait3A_43 = arith.constant 0 : i32
    %dma_wait3A_44 = tpu.memref_slice %arg3[%dma_wait3A, %add3A, %dma_wait3A_42, %dma_wait3A_43] : memref<2x32x80x125xi32, #tpu.memory_space<hbm>> -> memref<1x1x80x125xi32, #tpu.memory_space<hbm>>
    %dma_wait3A_45 = tpu.memref_squeeze %dma_wait3A_44 : memref<1x1x80x125xi32, #tpu.memory_space<hbm>> -> memref<80x125xi32, #tpu.memory_space<hbm>>
    tpu.wait_dma2 semaphore(%arg18 : memref<!tpu.dma_semaphore, #tpu.memory_space<semaphore_mem>>) src(%dma_wait3A_45 : memref<80x125xi32, #tpu.memory_space<hbm>>) dst(%arg7 : memref<80x125xi32, #tpu.memory_space<vmem>>)
    %dma_wait3A_46 = arith.constant 1 : i32
    %dma_wait3A_47 = arith.constant 0 : i32
    %dma_wait3A_48 = arith.constant 0 : i32
    %dma_wait3A_49 = tpu.memref_slice %arg3[%dma_wait3A_46, %add3A, %dma_wait3A_47, %dma_wait3A_48] : memref<2x32x80x125xi32, #tpu.memory_space<hbm>> -> memref<1x1x80x125xi32, #tpu.memory_space<hbm>>
    %dma_wait3A_50 = tpu.memref_squeeze %dma_wait3A_49 : memref<1x1x80x125xi32, #tpu.memory_space<hbm>> -> memref<80x125xi32, #tpu.memory_space<hbm>>
    %dma_wait3A_51 = arith.constant 0 : i32
    %dma_wait3A_52 = arith.constant 0 : i32
    %dma_wait3A_53 = tpu.memref_slice %arg3[%dma_wait3A_46, %add3A, %dma_wait3A_51, %dma_wait3A_52] : memref<2x32x80x125xi32, #tpu.memory_space<hbm>> -> memref<1x1x80x125xi32, #tpu.memory_space<hbm>>
    %dma_wait3A_54 = tpu.memref_squeeze %dma_wait3A_53 : memref<1x1x80x125xi32, #tpu.memory_space<hbm>> -> memref<80x125xi32, #tpu.memory_space<hbm>>
    tpu.wait_dma2 semaphore(%arg18 : memref<!tpu.dma_semaphore, #tpu.memory_space<semaphore_mem>>) src(%dma_wait3A_54 : memref<80x125xi32, #tpu.memory_space<hbm>>) dst(%arg8 : memref<80x125xi32, #tpu.memory_space<vmem>>)
    %dma_wait3A_55 = tpu.memref_slice %arg4[%mul3A_19] : memref<5120xi32, #tpu.memory_space<hbm>> -> memref<320xi32, #tpu.memory_space<hbm>>
    %dma_wait3A_56 = tpu.memref_slice %arg4[%mul3A_19] : memref<5120xi32, #tpu.memory_space<hbm>> -> memref<320xi32, #tpu.memory_space<hbm>>
    tpu.wait_dma2 semaphore(%arg18 : memref<!tpu.dma_semaphore, #tpu.memory_space<semaphore_mem>>) src(%dma_wait3A_56 : memref<320xi32, #tpu.memory_space<hbm>>) dst(%arg12 : memref<320xi32, #tpu.memory_space<vmem>>)
    %dma_wait3A_57 = tpu.memref_slice %arg4[%mul3A_23] : memref<5120xi32, #tpu.memory_space<hbm>> -> memref<160xi32, #tpu.memory_space<hbm>>
    %dma_wait3A_58 = tpu.memref_slice %arg4[%mul3A_23] : memref<5120xi32, #tpu.memory_space<hbm>> -> memref<160xi32, #tpu.memory_space<hbm>>
    tpu.wait_dma2 semaphore(%arg18 : memref<!tpu.dma_semaphore, #tpu.memory_space<semaphore_mem>>) src(%dma_wait3A_58 : memref<160xi32, #tpu.memory_space<hbm>>) dst(%arg14 : memref<160xi32, #tpu.memory_space<vmem>>)
    %barrier3A = arith.constant 0 : index
    tpu.barrier barrier_id(%barrier3A)
    %dma_start3A_59 = arith.constant 0 : i32
    %dma_start3A_60 = arith.constant 0 : i32
    %dma_start3A_61 = arith.constant 0 : i32
    %dma_start3A_62 = arith.constant 0 : i32
    %dma_start3A_63 = arith.constant 0 : i32
    %dma_start3A_64 = tpu.memref_slice %arg9[%dma_start3A_60, %dma_start3A_62, %dma_start3A_63] : memref<8x125x32xf32, #tpu.memory_space<vmem>> -> memref<1x125x32xf32, #tpu.memory_space<vmem>>
    %dma_start3A_65 = tpu.memref_squeeze %dma_start3A_64 : memref<1x125x32xf32, #tpu.memory_space<vmem>> -> memref<125x32xf32, #tpu.memory_space<vmem>>
    %dma_start3A_66 = arith.constant 0 : i32
    %dma_start3A_67 = tpu.memref_slice %arg7[%dma_start3A_59, %dma_start3A_66] : memref<80x125xi32, #tpu.memory_space<vmem>> -> memref<1x125xi32, #tpu.memory_space<vmem>>
    %dma_start3A_68 = tpu.memref_squeeze %dma_start3A_67 : memref<1x125xi32, #tpu.memory_space<vmem>> -> memref<125xi32, #tpu.memory_space<vmem>>
    %dma_start3A_69 = arith.constant 0 : i32
    %dma_start3A_70 = arith.constant 0 : i32
    %dma_start3A_71 = tpu.memref_slice %arg2[%dma_start3A_69, %dma_start3A_70] : memref<10000x32xf32, #tpu.memory_space<hbm>> -> memref<10000x32xf32, #tpu.memory_space<hbm>>
    %dma_start3A_72 = tpu.memref_slice %arg16[%dma_start3A_61] : memref<8x!tpu.dma_semaphore, #tpu.memory_space<semaphore_mem>> -> memref<1x!tpu.dma_semaphore, #tpu.memory_space<semaphore_mem>>
    %dma_start3A_73 = tpu.memref_squeeze %dma_start3A_72 : memref<1x!tpu.dma_semaphore, #tpu.memory_space<semaphore_mem>> -> memref<!tpu.dma_semaphore, #tpu.memory_space<semaphore_mem>>
    tpu.enqueue_indirect_dma source(%dma_start3A_71 : memref<10000x32xf32, #tpu.memory_space<hbm>>) target(%dma_start3A_65 : memref<125x32xf32, #tpu.memory_space<vmem>>) offsets(%dma_start3A_68 : memref<125xi32, #tpu.memory_space<vmem>>) semaphore(%dma_start3A_73 : memref<!tpu.dma_semaphore, #tpu.memory_space<semaphore_mem>>)
    %dma_start3A_74 = arith.constant 1 : i32
    %dma_start3A_75 = arith.constant 1 : i32
    %dma_start3A_76 = arith.constant 1 : i32
    %dma_start3A_77 = arith.constant 0 : i32
    %dma_start3A_78 = arith.constant 0 : i32
    %dma_start3A_79 = tpu.memref_slice %arg9[%dma_start3A_75, %dma_start3A_77, %dma_start3A_78] : memref<8x125x32xf32, #tpu.memory_space<vmem>> -> memref<1x125x32xf32, #tpu.memory_space<vmem>>
    %dma_start3A_80 = tpu.memref_squeeze %dma_start3A_79 : memref<1x125x32xf32, #tpu.memory_space<vmem>> -> memref<125x32xf32, #tpu.memory_space<vmem>>
    %dma_start3A_81 = arith.constant 0 : i32
    %dma_start3A_82 = tpu.memref_slice %arg7[%dma_start3A_74, %dma_start3A_81] : memref<80x125xi32, #tpu.memory_space<vmem>> -> memref<1x125xi32, #tpu.memory_space<vmem>>
    %dma_start3A_83 = tpu.memref_squeeze %dma_start3A_82 : memref<1x125xi32, #tpu.memory_space<vmem>> -> memref<125xi32, #tpu.memory_space<vmem>>
    %dma_start3A_84 = arith.constant 0 : i32
    %dma_start3A_85 = arith.constant 0 : i32
    %dma_start3A_86 = tpu.memref_slice %arg2[%dma_start3A_84, %dma_start3A_85] : memref<10000x32xf32, #tpu.memory_space<hbm>> -> memref<10000x32xf32, #tpu.memory_space<hbm>>
    %dma_start3A_87 = tpu.memref_slice %arg16[%dma_start3A_76] : memref<8x!tpu.dma_semaphore, #tpu.memory_space<semaphore_mem>> -> memref<1x!tpu.dma_semaphore, #tpu.memory_space<semaphore_mem>>
    %dma_start3A_88 = tpu.memref_squeeze %dma_start3A_87 : memref<1x!tpu.dma_semaphore, #tpu.memory_space<semaphore_mem>> -> memref<!tpu.dma_semaphore, #tpu.memory_space<semaphore_mem>>
    tpu.enqueue_indirect_dma source(%dma_start3A_86 : memref<10000x32xf32, #tpu.memory_space<hbm>>) target(%dma_start3A_80 : memref<125x32xf32, #tpu.memory_space<vmem>>) offsets(%dma_start3A_83 : memref<125xi32, #tpu.memory_space<vmem>>) semaphore(%dma_start3A_88 : memref<!tpu.dma_semaphore, #tpu.memory_space<semaphore_mem>>)
    %dma_start3A_89 = arith.constant 2 : i32
    %dma_start3A_90 = arith.constant 2 : i32
    %dma_start3A_91 = arith.constant 2 : i32
    %dma_start3A_92 = arith.constant 0 : i32
    %dma_start3A_93 = arith.constant 0 : i32
    %dma_start3A_94 = tpu.memref_slice %arg9[%dma_start3A_90, %dma_start3A_92, %dma_start3A_93] : memref<8x125x32xf32, #tpu.memory_space<vmem>> -> memref<1x125x32xf32, #tpu.memory_space<vmem>>
    %dma_start3A_95 = tpu.memref_squeeze %dma_start3A_94 : memref<1x125x32xf32, #tpu.memory_space<vmem>> -> memref<125x32xf32, #tpu.memory_space<vmem>>
    %dma_start3A_96 = arith.constant 0 : i32
    %dma_start3A_97 = tpu.memref_slice %arg7[%dma_start3A_89, %dma_start3A_96] : memref<80x125xi32, #tpu.memory_space<vmem>> -> memref<1x125xi32, #tpu.memory_space<vmem>>
    %dma_start3A_98 = tpu.memref_squeeze %dma_start3A_97 : memref<1x125xi32, #tpu.memory_space<vmem>> -> memref<125xi32, #tpu.memory_space<vmem>>
    %dma_start3A_99 = arith.constant 0 : i32
    %dma_start3A_100 = arith.constant 0 : i32
    %dma_start3A_101 = tpu.memref_slice %arg2[%dma_start3A_99, %dma_start3A_100] : memref<10000x32xf32, #tpu.memory_space<hbm>> -> memref<10000x32xf32, #tpu.memory_space<hbm>>
    %dma_start3A_102 = tpu.memref_slice %arg16[%dma_start3A_91] : memref<8x!tpu.dma_semaphore, #tpu.memory_space<semaphore_mem>> -> memref<1x!tpu.dma_semaphore, #tpu.memory_space<semaphore_mem>>
    %dma_start3A_103 = tpu.memref_squeeze %dma_start3A_102 : memref<1x!tpu.dma_semaphore, #tpu.memory_space<semaphore_mem>> -> memref<!tpu.dma_semaphore, #tpu.memory_space<semaphore_mem>>
    tpu.enqueue_indirect_dma source(%dma_start3A_101 : memref<10000x32xf32, #tpu.memory_space<hbm>>) target(%dma_start3A_95 : memref<125x32xf32, #tpu.memory_space<vmem>>) offsets(%dma_start3A_98 : memref<125xi32, #tpu.memory_space<vmem>>) semaphore(%dma_start3A_103 : memref<!tpu.dma_semaphore, #tpu.memory_space<semaphore_mem>>)
    %dma_start3A_104 = arith.constant 3 : i32
    %dma_start3A_105 = arith.constant 3 : i32
    %dma_start3A_106 = arith.constant 3 : i32
    %dma_start3A_107 = arith.constant 0 : i32
    %dma_start3A_108 = arith.constant 0 : i32
    %dma_start3A_109 = tpu.memref_slice %arg9[%dma_start3A_105, %dma_start3A_107, %dma_start3A_108] : memref<8x125x32xf32, #tpu.memory_space<vmem>> -> memref<1x125x32xf32, #tpu.memory_space<vmem>>
    %dma_start3A_110 = tpu.memref_squeeze %dma_start3A_109 : memref<1x125x32xf32, #tpu.memory_space<vmem>> -> memref<125x32xf32, #tpu.memory_space<vmem>>
    %dma_start3A_111 = arith.constant 0 : i32
    %dma_start3A_112 = tpu.memref_slice %arg7[%dma_start3A_104, %dma_start3A_111] : memref<80x125xi32, #tpu.memory_space<vmem>> -> memref<1x125xi32, #tpu.memory_space<vmem>>
    %dma_start3A_113 = tpu.memref_squeeze %dma_start3A_112 : memref<1x125xi32, #tpu.memory_space<vmem>> -> memref<125xi32, #tpu.memory_space<vmem>>
    %dma_start3A_114 = arith.constant 0 : i32
    %dma_start3A_115 = arith.constant 0 : i32
    %dma_start3A_116 = tpu.memref_slice %arg2[%dma_start3A_114, %dma_start3A_115] : memref<10000x32xf32, #tpu.memory_space<hbm>> -> memref<10000x32xf32, #tpu.memory_space<hbm>>
    %dma_start3A_117 = tpu.memref_slice %arg16[%dma_start3A_106] : memref<8x!tpu.dma_semaphore, #tpu.memory_space<semaphore_mem>> -> memref<1x!tpu.dma_semaphore, #tpu.memory_space<semaphore_mem>>
    %dma_start3A_118 = tpu.memref_squeeze %dma_start3A_117 : memref<1x!tpu.dma_semaphore, #tpu.memory_space<semaphore_mem>> -> memref<!tpu.dma_semaphore, #tpu.memory_space<semaphore_mem>>
    tpu.enqueue_indirect_dma source(%dma_start3A_116 : memref<10000x32xf32, #tpu.memory_space<hbm>>) target(%dma_start3A_110 : memref<125x32xf32, #tpu.memory_space<vmem>>) offsets(%dma_start3A_113 : memref<125xi32, #tpu.memory_space<vmem>>) semaphore(%dma_start3A_118 : memref<!tpu.dma_semaphore, #tpu.memory_space<semaphore_mem>>)
    %dma_start3A_119 = arith.constant 4 : i32
    %dma_start3A_120 = arith.constant 4 : i32
    %dma_start3A_121 = arith.constant 4 : i32
    %dma_start3A_122 = arith.constant 0 : i32
    %dma_start3A_123 = arith.constant 0 : i32
    %dma_start3A_124 = tpu.memref_slice %arg9[%dma_start3A_120, %dma_start3A_122, %dma_start3A_123] : memref<8x125x32xf32, #tpu.memory_space<vmem>> -> memref<1x125x32xf32, #tpu.memory_space<vmem>>
    %dma_start3A_125 = tpu.memref_squeeze %dma_start3A_124 : memref<1x125x32xf32, #tpu.memory_space<vmem>> -> memref<125x32xf32, #tpu.memory_space<vmem>>
    %dma_start3A_126 = arith.constant 0 : i32
    %dma_start3A_127 = tpu.memref_slice %arg7[%dma_start3A_119, %dma_start3A_126] : memref<80x125xi32, #tpu.memory_space<vmem>> -> memref<1x125xi32, #tpu.memory_space<vmem>>
    %dma_start3A_128 = tpu.memref_squeeze %dma_start3A_127 : memref<1x125xi32, #tpu.memory_space<vmem>> -> memref<125xi32, #tpu.memory_space<vmem>>
    %dma_start3A_129 = arith.constant 0 : i32
    %dma_start3A_130 = arith.constant 0 : i32
    %dma_start3A_131 = tpu.memref_slice %arg2[%dma_start3A_129, %dma_start3A_130] : memref<10000x32xf32, #tpu.memory_space<hbm>> -> memref<10000x32xf32, #tpu.memory_space<hbm>>
    %dma_start3A_132 = tpu.memref_slice %arg16[%dma_start3A_121] : memref<8x!tpu.dma_semaphore, #tpu.memory_space<semaphore_mem>> -> memref<1x!tpu.dma_semaphore, #tpu.memory_space<semaphore_mem>>
    %dma_start3A_133 = tpu.memref_squeeze %dma_start3A_132 : memref<1x!tpu.dma_semaphore, #tpu.memory_space<semaphore_mem>> -> memref<!tpu.dma_semaphore, #tpu.memory_space<semaphore_mem>>
    tpu.enqueue_indirect_dma source(%dma_start3A_131 : memref<10000x32xf32, #tpu.memory_space<hbm>>) target(%dma_start3A_125 : memref<125x32xf32, #tpu.memory_space<vmem>>) offsets(%dma_start3A_128 : memref<125xi32, #tpu.memory_space<vmem>>) semaphore(%dma_start3A_133 : memref<!tpu.dma_semaphore, #tpu.memory_space<semaphore_mem>>)
    %dma_start3A_134 = arith.constant 5 : i32
    %dma_start3A_135 = arith.constant 5 : i32
    %dma_start3A_136 = arith.constant 5 : i32
    %dma_start3A_137 = arith.constant 0 : i32
    %dma_start3A_138 = arith.constant 0 : i32
    %dma_start3A_139 = tpu.memref_slice %arg9[%dma_start3A_135, %dma_start3A_137, %dma_start3A_138] : memref<8x125x32xf32, #tpu.memory_space<vmem>> -> memref<1x125x32xf32, #tpu.memory_space<vmem>>
    %dma_start3A_140 = tpu.memref_squeeze %dma_start3A_139 : memref<1x125x32xf32, #tpu.memory_space<vmem>> -> memref<125x32xf32, #tpu.memory_space<vmem>>
    %dma_start3A_141 = arith.constant 0 : i32
    %dma_start3A_142 = tpu.memref_slice %arg7[%dma_start3A_134, %dma_start3A_141] : memref<80x125xi32, #tpu.memory_space<vmem>> -> memref<1x125xi32, #tpu.memory_space<vmem>>
    %dma_start3A_143 = tpu.memref_squeeze %dma_start3A_142 : memref<1x125xi32, #tpu.memory_space<vmem>> -> memref<125xi32, #tpu.memory_space<vmem>>
    %dma_start3A_144 = arith.constant 0 : i32
    %dma_start3A_145 = arith.constant 0 : i32
    %dma_start3A_146 = tpu.memref_slice %arg2[%dma_start3A_144, %dma_start3A_145] : memref<10000x32xf32, #tpu.memory_space<hbm>> -> memref<10000x32xf32, #tpu.memory_space<hbm>>
    %dma_start3A_147 = tpu.memref_slice %arg16[%dma_start3A_136] : memref<8x!tpu.dma_semaphore, #tpu.memory_space<semaphore_mem>> -> memref<1x!tpu.dma_semaphore, #tpu.memory_space<semaphore_mem>>
    %dma_start3A_148 = tpu.memref_squeeze %dma_start3A_147 : memref<1x!tpu.dma_semaphore, #tpu.memory_space<semaphore_mem>> -> memref<!tpu.dma_semaphore, #tpu.memory_space<semaphore_mem>>
    tpu.enqueue_indirect_dma source(%dma_start3A_146 : memref<10000x32xf32, #tpu.memory_space<hbm>>) target(%dma_start3A_140 : memref<125x32xf32, #tpu.memory_space<vmem>>) offsets(%dma_start3A_143 : memref<125xi32, #tpu.memory_space<vmem>>) semaphore(%dma_start3A_148 : memref<!tpu.dma_semaphore, #tpu.memory_space<semaphore_mem>>)
    %dma_start3A_149 = arith.constant 6 : i32
    %dma_start3A_150 = arith.constant 6 : i32
    %dma_start3A_151 = arith.constant 6 : i32
    %dma_start3A_152 = arith.constant 0 : i32
    %dma_start3A_153 = arith.constant 0 : i32
    %dma_start3A_154 = tpu.memref_slice %arg9[%dma_start3A_150, %dma_start3A_152, %dma_start3A_153] : memref<8x125x32xf32, #tpu.memory_space<vmem>> -> memref<1x125x32xf32, #tpu.memory_space<vmem>>
    %dma_start3A_155 = tpu.memref_squeeze %dma_start3A_154 : memref<1x125x32xf32, #tpu.memory_space<vmem>> -> memref<125x32xf32, #tpu.memory_space<vmem>>
    %dma_start3A_156 = arith.constant 0 : i32
    %dma_start3A_157 = tpu.memref_slice %arg7[%dma_start3A_149, %dma_start3A_156] : memref<80x125xi32, #tpu.memory_space<vmem>> -> memref<1x125xi32, #tpu.memory_space<vmem>>
    %dma_start3A_158 = tpu.memref_squeeze %dma_start3A_157 : memref<1x125xi32, #tpu.memory_space<vmem>> -> memref<125xi32, #tpu.memory_space<vmem>>
    %dma_start3A_159 = arith.constant 0 : i32
    %dma_start3A_160 = arith.constant 0 : i32
    %dma_start3A_161 = tpu.memref_slice %arg2[%dma_start3A_159, %dma_start3A_160] : memref<10000x32xf32, #tpu.memory_space<hbm>> -> memref<10000x32xf32, #tpu.memory_space<hbm>>
    %dma_start3A_162 = tpu.memref_slice %arg16[%dma_start3A_151] : memref<8x!tpu.dma_semaphore, #tpu.memory_space<semaphore_mem>> -> memref<1x!tpu.dma_semaphore, #tpu.memory_space<semaphore_mem>>
    %dma_start3A_163 = tpu.memref_squeeze %dma_start3A_162 : memref<1x!tpu.dma_semaphore, #tpu.memory_space<semaphore_mem>> -> memref<!tpu.dma_semaphore, #tpu.memory_space<semaphore_mem>>
    tpu.enqueue_indirect_dma source(%dma_start3A_161 : memref<10000x32xf32, #tpu.memory_space<hbm>>) target(%dma_start3A_155 : memref<125x32xf32, #tpu.memory_space<vmem>>) offsets(%dma_start3A_158 : memref<125xi32, #tpu.memory_space<vmem>>) semaphore(%dma_start3A_163 : memref<!tpu.dma_semaphore, #tpu.memory_space<semaphore_mem>>)
    %scan3A_164 = arith.constant 0 : i32
    %scan3A_165 = arith.constant 0 : i32
    %scan3A_166 = arith.constant 10 : i32
    %scan3A_167 = arith.addi %scan3A_165, %scan3A_166 : i32
    %scan3A_168 = arith.constant 1 : i32
    scf.for %scan3A_322 = %scan3A_165 to %scan3A_167 step %scan3A_168  : i32 {
      %mul3A_323 = arith.constant 8 : i32
      %mul3A_324 = arith.muli %scan3A_322, %mul3A_323 : i32
      %add3A_325 = arith.constant 0 : i32
      %add3A_326 = arith.addi %mul3A_324, %add3A_325 : i32
      %dma_wait3A_327 = arith.constant 0 : i32
      %dma_wait3A_328 = arith.constant 0 : i32
      %dma_wait3A_329 = arith.constant 0 : i32
      %dma_wait3A_330 = arith.constant 0 : i32
      %dma_wait3A_331 = tpu.memref_slice %arg9[%dma_wait3A_327, %dma_wait3A_329, %dma_wait3A_330] : memref<8x125x32xf32, #tpu.memory_space<vmem>> -> memref<1x125x32xf32, #tpu.memory_space<vmem>>
      %dma_wait3A_332 = tpu.memref_squeeze %dma_wait3A_331 : memref<1x125x32xf32, #tpu.memory_space<vmem>> -> memref<125x32xf32, #tpu.memory_space<vmem>>
      %dma_wait3A_333 = arith.constant 0 : i32
      %dma_wait3A_334 = tpu.memref_slice %arg7[%add3A_326, %dma_wait3A_333] : memref<80x125xi32, #tpu.memory_space<vmem>> -> memref<1x125xi32, #tpu.memory_space<vmem>>
      %dma_wait3A_335 = tpu.memref_squeeze %dma_wait3A_334 : memref<1x125xi32, #tpu.memory_space<vmem>> -> memref<125xi32, #tpu.memory_space<vmem>>
      %dma_wait3A_336 = arith.constant 0 : i32
      %dma_wait3A_337 = arith.constant 0 : i32
      %dma_wait3A_338 = tpu.memref_slice %arg2[%dma_wait3A_336, %dma_wait3A_337] : memref<10000x32xf32, #tpu.memory_space<hbm>> -> memref<10000x32xf32, #tpu.memory_space<hbm>>
      %dma_wait3A_339 = tpu.memref_slice %arg16[%dma_wait3A_328] : memref<8x!tpu.dma_semaphore, #tpu.memory_space<semaphore_mem>> -> memref<1x!tpu.dma_semaphore, #tpu.memory_space<semaphore_mem>>
      %dma_wait3A_340 = tpu.memref_squeeze %dma_wait3A_339 : memref<1x!tpu.dma_semaphore, #tpu.memory_space<semaphore_mem>> -> memref<!tpu.dma_semaphore, #tpu.memory_space<semaphore_mem>>
      tpu.wait_indirect_dma semaphore(%dma_wait3A_340 : memref<!tpu.dma_semaphore, #tpu.memory_space<semaphore_mem>>) src(%dma_wait3A_338 : memref<10000x32xf32, #tpu.memory_space<hbm>>) dst(%dma_wait3A_332 : memref<125x32xf32, #tpu.memory_space<vmem>>)
      %dma_start3A_341 = arith.constant 0 : i32
      %dma_start3A_342 = arith.constant 0 : i32
      %dma_start3A_343 = arith.constant 0 : i32
      %dma_start3A_344 = arith.constant 0 : i32
      %dma_start3A_345 = tpu.memref_slice %arg9[%dma_start3A_341, %dma_start3A_343, %dma_start3A_344] : memref<8x125x32xf32, #tpu.memory_space<vmem>> -> memref<1x125x32xf32, #tpu.memory_space<vmem>>
      %dma_start3A_346 = tpu.memref_squeeze %dma_start3A_345 : memref<1x125x32xf32, #tpu.memory_space<vmem>> -> memref<125x32xf32, #tpu.memory_space<vmem>>
      %dma_start3A_347 = arith.constant 0 : i32
      %dma_start3A_348 = tpu.memref_slice %arg8[%add3A_326, %dma_start3A_347] : memref<80x125xi32, #tpu.memory_space<vmem>> -> memref<1x125xi32, #tpu.memory_space<vmem>>
      %dma_start3A_349 = tpu.memref_squeeze %dma_start3A_348 : memref<1x125xi32, #tpu.memory_space<vmem>> -> memref<125xi32, #tpu.memory_space<vmem>>
      %dma_start3A_350 = arith.constant 0 : i32
      %dma_start3A_351 = arith.constant 0 : i32
      %dma_start3A_352 = tpu.memref_slice %arg11[%dma_start3A_350, %dma_start3A_351] : memref<10240x32xf32, #tpu.memory_space<vmem_shared>> -> memref<10240x32xf32, #tpu.memory_space<vmem_shared>>
      %dma_start3A_353 = tpu.memref_slice %arg17[%dma_start3A_342] : memref<8x!tpu.dma_semaphore, #tpu.memory_space<semaphore_mem>> -> memref<1x!tpu.dma_semaphore, #tpu.memory_space<semaphore_mem>>
      %dma_start3A_354 = tpu.memref_squeeze %dma_start3A_353 : memref<1x!tpu.dma_semaphore, #tpu.memory_space<semaphore_mem>> -> memref<!tpu.dma_semaphore, #tpu.memory_space<semaphore_mem>>
      tpu.enqueue_indirect_dma source(%dma_start3A_346 : memref<125x32xf32, #tpu.memory_space<vmem>>) target(%dma_start3A_352 : memref<10240x32xf32, #tpu.memory_space<vmem_shared>>) offsets(%dma_start3A_349 : memref<125xi32, #tpu.memory_space<vmem>>) semaphore(%dma_start3A_354 : memref<!tpu.dma_semaphore, #tpu.memory_space<semaphore_mem>>) {add = true}
      %ge3A = arith.constant 1 : i32
      %ge3A_355 = arith.cmpi sge, %add3A_326, %ge3A : i32
      %convert_element_type3A = arith.extui %ge3A_355 : i1 to i32
      %cond3A = arith.constant 0 : i32
      %cond3A_356 = arith.cmpi ne, %convert_element_type3A, %cond3A : i32
      scf.if %cond3A_356 {
        %sub3A_686 = arith.constant 1 : i32
        %sub3A_687 = arith.subi %add3A_326, %sub3A_686 : i32
        %dma_wait3A_688 = arith.constant 7 : i32
        %dma_wait3A_689 = arith.constant 7 : i32
        %dma_wait3A_690 = arith.constant 0 : i32
        %dma_wait3A_691 = arith.constant 0 : i32
        %dma_wait3A_692 = tpu.memref_slice %arg9[%dma_wait3A_688, %dma_wait3A_690, %dma_wait3A_691] : memref<8x125x32xf32, #tpu.memory_space<vmem>> -> memref<1x125x32xf32, #tpu.memory_space<vmem>>
        %dma_wait3A_693 = tpu.memref_squeeze %dma_wait3A_692 : memref<1x125x32xf32, #tpu.memory_space<vmem>> -> memref<125x32xf32, #tpu.memory_space<vmem>>
        %dma_wait3A_694 = arith.constant 0 : i32
        %dma_wait3A_695 = tpu.memref_slice %arg8[%sub3A_687, %dma_wait3A_694] : memref<80x125xi32, #tpu.memory_space<vmem>> -> memref<1x125xi32, #tpu.memory_space<vmem>>
        %dma_wait3A_696 = tpu.memref_squeeze %dma_wait3A_695 : memref<1x125xi32, #tpu.memory_space<vmem>> -> memref<125xi32, #tpu.memory_space<vmem>>
        %dma_wait3A_697 = arith.constant 0 : i32
        %dma_wait3A_698 = arith.constant 0 : i32
        %dma_wait3A_699 = tpu.memref_slice %arg11[%dma_wait3A_697, %dma_wait3A_698] : memref<10240x32xf32, #tpu.memory_space<vmem_shared>> -> memref<10240x32xf32, #tpu.memory_space<vmem_shared>>
        %dma_wait3A_700 = tpu.memref_slice %arg17[%dma_wait3A_689] : memref<8x!tpu.dma_semaphore, #tpu.memory_space<semaphore_mem>> -> memref<1x!tpu.dma_semaphore, #tpu.memory_space<semaphore_mem>>
        %dma_wait3A_701 = tpu.memref_squeeze %dma_wait3A_700 : memref<1x!tpu.dma_semaphore, #tpu.memory_space<semaphore_mem>> -> memref<!tpu.dma_semaphore, #tpu.memory_space<semaphore_mem>>
        tpu.wait_indirect_dma semaphore(%dma_wait3A_701 : memref<!tpu.dma_semaphore, #tpu.memory_space<semaphore_mem>>) src(%dma_wait3A_693 : memref<125x32xf32, #tpu.memory_space<vmem>>) dst(%dma_wait3A_699 : memref<10240x32xf32, #tpu.memory_space<vmem_shared>>)
      } else {
      }
      %add3A_357 = arith.constant 8 : i32
      %add3A_358 = arith.addi %add3A_326, %add3A_357 : i32
      %sub3A = arith.constant 1 : i32
      %sub3A_359 = arith.subi %add3A_358, %sub3A : i32
      %lt3A = arith.constant 80 : i32
      %lt3A_360 = arith.cmpi slt, %sub3A_359, %lt3A : i32
      %convert_element_type3A_361 = arith.extui %lt3A_360 : i1 to i32
      %cond3A_362 = arith.constant 0 : i32
      %cond3A_363 = arith.cmpi ne, %convert_element_type3A_361, %cond3A_362 : i32
      scf.if %cond3A_363 {
        %add3A_686 = arith.constant 8 : i32
        %add3A_687 = arith.addi %add3A_326, %add3A_686 : i32
        %sub3A_688 = arith.constant 1 : i32
        %sub3A_689 = arith.subi %add3A_687, %sub3A_688 : i32
        %dma_start3A_690 = arith.constant 7 : i32
        %dma_start3A_691 = arith.constant 7 : i32
        %dma_start3A_692 = arith.constant 0 : i32
        %dma_start3A_693 = arith.constant 0 : i32
        %dma_start3A_694 = tpu.memref_slice %arg9[%dma_start3A_690, %dma_start3A_692, %dma_start3A_693] : memref<8x125x32xf32, #tpu.memory_space<vmem>> -> memref<1x125x32xf32, #tpu.memory_space<vmem>>
        %dma_start3A_695 = tpu.memref_squeeze %dma_start3A_694 : memref<1x125x32xf32, #tpu.memory_space<vmem>> -> memref<125x32xf32, #tpu.memory_space<vmem>>
        %dma_start3A_696 = arith.constant 0 : i32
        %dma_start3A_697 = tpu.memref_slice %arg7[%sub3A_689, %dma_start3A_696] : memref<80x125xi32, #tpu.memory_space<vmem>> -> memref<1x125xi32, #tpu.memory_space<vmem>>
        %dma_start3A_698 = tpu.memref_squeeze %dma_start3A_697 : memref<1x125xi32, #tpu.memory_space<vmem>> -> memref<125xi32, #tpu.memory_space<vmem>>
        %dma_start3A_699 = arith.constant 0 : i32
        %dma_start3A_700 = arith.constant 0 : i32
        %dma_start3A_701 = tpu.memref_slice %arg2[%dma_start3A_699, %dma_start3A_700] : memref<10000x32xf32, #tpu.memory_space<hbm>> -> memref<10000x32xf32, #tpu.memory_space<hbm>>
        %dma_start3A_702 = tpu.memref_slice %arg16[%dma_start3A_691] : memref<8x!tpu.dma_semaphore, #tpu.memory_space<semaphore_mem>> -> memref<1x!tpu.dma_semaphore, #tpu.memory_space<semaphore_mem>>
        %dma_start3A_703 = tpu.memref_squeeze %dma_start3A_702 : memref<1x!tpu.dma_semaphore, #tpu.memory_space<semaphore_mem>> -> memref<!tpu.dma_semaphore, #tpu.memory_space<semaphore_mem>>
        tpu.enqueue_indirect_dma source(%dma_start3A_701 : memref<10000x32xf32, #tpu.memory_space<hbm>>) target(%dma_start3A_695 : memref<125x32xf32, #tpu.memory_space<vmem>>) offsets(%dma_start3A_698 : memref<125xi32, #tpu.memory_space<vmem>>) semaphore(%dma_start3A_703 : memref<!tpu.dma_semaphore, #tpu.memory_space<semaphore_mem>>)
      } else {
      }
      %mul3A_364 = arith.constant 8 : i32
      %mul3A_365 = arith.muli %scan3A_322, %mul3A_364 : i32
      %add3A_366 = arith.constant 1 : i32
      %add3A_367 = arith.addi %mul3A_365, %add3A_366 : i32
      %dma_wait3A_368 = arith.constant 1 : i32
      %dma_wait3A_369 = arith.constant 1 : i32
      %dma_wait3A_370 = arith.constant 0 : i32
      %dma_wait3A_371 = arith.constant 0 : i32
      %dma_wait3A_372 = tpu.memref_slice %arg9[%dma_wait3A_368, %dma_wait3A_370, %dma_wait3A_371] : memref<8x125x32xf32, #tpu.memory_space<vmem>> -> memref<1x125x32xf32, #tpu.memory_space<vmem>>
      %dma_wait3A_373 = tpu.memref_squeeze %dma_wait3A_372 : memref<1x125x32xf32, #tpu.memory_space<vmem>> -> memref<125x32xf32, #tpu.memory_space<vmem>>
      %dma_wait3A_374 = arith.constant 0 : i32
      %dma_wait3A_375 = tpu.memref_slice %arg7[%add3A_367, %dma_wait3A_374] : memref<80x125xi32, #tpu.memory_space<vmem>> -> memref<1x125xi32, #tpu.memory_space<vmem>>
      %dma_wait3A_376 = tpu.memref_squeeze %dma_wait3A_375 : memref<1x125xi32, #tpu.memory_space<vmem>> -> memref<125xi32, #tpu.memory_space<vmem>>
      %dma_wait3A_377 = arith.constant 0 : i32
      %dma_wait3A_378 = arith.constant 0 : i32
      %dma_wait3A_379 = tpu.memref_slice %arg2[%dma_wait3A_377, %dma_wait3A_378] : memref<10000x32xf32, #tpu.memory_space<hbm>> -> memref<10000x32xf32, #tpu.memory_space<hbm>>
      %dma_wait3A_380 = tpu.memref_slice %arg16[%dma_wait3A_369] : memref<8x!tpu.dma_semaphore, #tpu.memory_space<semaphore_mem>> -> memref<1x!tpu.dma_semaphore, #tpu.memory_space<semaphore_mem>>
      %dma_wait3A_381 = tpu.memref_squeeze %dma_wait3A_380 : memref<1x!tpu.dma_semaphore, #tpu.memory_space<semaphore_mem>> -> memref<!tpu.dma_semaphore, #tpu.memory_space<semaphore_mem>>
      tpu.wait_indirect_dma semaphore(%dma_wait3A_381 : memref<!tpu.dma_semaphore, #tpu.memory_space<semaphore_mem>>) src(%dma_wait3A_379 : memref<10000x32xf32, #tpu.memory_space<hbm>>) dst(%dma_wait3A_373 : memref<125x32xf32, #tpu.memory_space<vmem>>)
      %dma_start3A_382 = arith.constant 1 : i32
      %dma_start3A_383 = arith.constant 1 : i32
      %dma_start3A_384 = arith.constant 0 : i32
      %dma_start3A_385 = arith.constant 0 : i32
      %dma_start3A_386 = tpu.memref_slice %arg9[%dma_start3A_382, %dma_start3A_384, %dma_start3A_385] : memref<8x125x32xf32, #tpu.memory_space<vmem>> -> memref<1x125x32xf32, #tpu.memory_space<vmem>>
      %dma_start3A_387 = tpu.memref_squeeze %dma_start3A_386 : memref<1x125x32xf32, #tpu.memory_space<vmem>> -> memref<125x32xf32, #tpu.memory_space<vmem>>
      %dma_start3A_388 = arith.constant 0 : i32
      %dma_start3A_389 = tpu.memref_slice %arg8[%add3A_367, %dma_start3A_388] : memref<80x125xi32, #tpu.memory_space<vmem>> -> memref<1x125xi32, #tpu.memory_space<vmem>>
      %dma_start3A_390 = tpu.memref_squeeze %dma_start3A_389 : memref<1x125xi32, #tpu.memory_space<vmem>> -> memref<125xi32, #tpu.memory_space<vmem>>
      %dma_start3A_391 = arith.constant 0 : i32
      %dma_start3A_392 = arith.constant 0 : i32
      %dma_start3A_393 = tpu.memref_slice %arg11[%dma_start3A_391, %dma_start3A_392] : memref<10240x32xf32, #tpu.memory_space<vmem_shared>> -> memref<10240x32xf32, #tpu.memory_space<vmem_shared>>
      %dma_start3A_394 = tpu.memref_slice %arg17[%dma_start3A_383] : memref<8x!tpu.dma_semaphore, #tpu.memory_space<semaphore_mem>> -> memref<1x!tpu.dma_semaphore, #tpu.memory_space<semaphore_mem>>
      %dma_start3A_395 = tpu.memref_squeeze %dma_start3A_394 : memref<1x!tpu.dma_semaphore, #tpu.memory_space<semaphore_mem>> -> memref<!tpu.dma_semaphore, #tpu.memory_space<semaphore_mem>>
      tpu.enqueue_indirect_dma source(%dma_start3A_387 : memref<125x32xf32, #tpu.memory_space<vmem>>) target(%dma_start3A_393 : memref<10240x32xf32, #tpu.memory_space<vmem_shared>>) offsets(%dma_start3A_390 : memref<125xi32, #tpu.memory_space<vmem>>) semaphore(%dma_start3A_395 : memref<!tpu.dma_semaphore, #tpu.memory_space<semaphore_mem>>) {add = true}
      %ge3A_396 = arith.constant 1 : i32
      %ge3A_397 = arith.cmpi sge, %add3A_367, %ge3A_396 : i32
      %convert_element_type3A_398 = arith.extui %ge3A_397 : i1 to i32
      %cond3A_399 = arith.constant 0 : i32
      %cond3A_400 = arith.cmpi ne, %convert_element_type3A_398, %cond3A_399 : i32
      scf.if %cond3A_400 {
        %sub3A_686 = arith.constant 1 : i32
        %sub3A_687 = arith.subi %add3A_367, %sub3A_686 : i32
        %dma_wait3A_688 = arith.constant 0 : i32
        %dma_wait3A_689 = arith.constant 0 : i32
        %dma_wait3A_690 = arith.constant 0 : i32
        %dma_wait3A_691 = arith.constant 0 : i32
        %dma_wait3A_692 = tpu.memref_slice %arg9[%dma_wait3A_688, %dma_wait3A_690, %dma_wait3A_691] : memref<8x125x32xf32, #tpu.memory_space<vmem>> -> memref<1x125x32xf32, #tpu.memory_space<vmem>>
        %dma_wait3A_693 = tpu.memref_squeeze %dma_wait3A_692 : memref<1x125x32xf32, #tpu.memory_space<vmem>> -> memref<125x32xf32, #tpu.memory_space<vmem>>
        %dma_wait3A_694 = arith.constant 0 : i32
        %dma_wait3A_695 = tpu.memref_slice %arg8[%sub3A_687, %dma_wait3A_694] : memref<80x125xi32, #tpu.memory_space<vmem>> -> memref<1x125xi32, #tpu.memory_space<vmem>>
        %dma_wait3A_696 = tpu.memref_squeeze %dma_wait3A_695 : memref<1x125xi32, #tpu.memory_space<vmem>> -> memref<125xi32, #tpu.memory_space<vmem>>
        %dma_wait3A_697 = arith.constant 0 : i32
        %dma_wait3A_698 = arith.constant 0 : i32
        %dma_wait3A_699 = tpu.memref_slice %arg11[%dma_wait3A_697, %dma_wait3A_698] : memref<10240x32xf32, #tpu.memory_space<vmem_shared>> -> memref<10240x32xf32, #tpu.memory_space<vmem_shared>>
        %dma_wait3A_700 = tpu.memref_slice %arg17[%dma_wait3A_689] : memref<8x!tpu.dma_semaphore, #tpu.memory_space<semaphore_mem>> -> memref<1x!tpu.dma_semaphore, #tpu.memory_space<semaphore_mem>>
        %dma_wait3A_701 = tpu.memref_squeeze %dma_wait3A_700 : memref<1x!tpu.dma_semaphore, #tpu.memory_space<semaphore_mem>> -> memref<!tpu.dma_semaphore, #tpu.memory_space<semaphore_mem>>
        tpu.wait_indirect_dma semaphore(%dma_wait3A_701 : memref<!tpu.dma_semaphore, #tpu.memory_space<semaphore_mem>>) src(%dma_wait3A_693 : memref<125x32xf32, #tpu.memory_space<vmem>>) dst(%dma_wait3A_699 : memref<10240x32xf32, #tpu.memory_space<vmem_shared>>)
      } else {
      }
      %add3A_401 = arith.constant 8 : i32
      %add3A_402 = arith.addi %add3A_367, %add3A_401 : i32
      %sub3A_403 = arith.constant 1 : i32
      %sub3A_404 = arith.subi %add3A_402, %sub3A_403 : i32
      %lt3A_405 = arith.constant 80 : i32
      %lt3A_406 = arith.cmpi slt, %sub3A_404, %lt3A_405 : i32
      %convert_element_type3A_407 = arith.extui %lt3A_406 : i1 to i32
      %cond3A_408 = arith.constant 0 : i32
      %cond3A_409 = arith.cmpi ne, %convert_element_type3A_407, %cond3A_408 : i32
      scf.if %cond3A_409 {
        %add3A_686 = arith.constant 8 : i32
        %add3A_687 = arith.addi %add3A_367, %add3A_686 : i32
        %sub3A_688 = arith.constant 1 : i32
        %sub3A_689 = arith.subi %add3A_687, %sub3A_688 : i32
        %dma_start3A_690 = arith.constant 0 : i32
        %dma_start3A_691 = arith.constant 0 : i32
        %dma_start3A_692 = arith.constant 0 : i32
        %dma_start3A_693 = arith.constant 0 : i32
        %dma_start3A_694 = tpu.memref_slice %arg9[%dma_start3A_690, %dma_start3A_692, %dma_start3A_693] : memref<8x125x32xf32, #tpu.memory_space<vmem>> -> memref<1x125x32xf32, #tpu.memory_space<vmem>>
        %dma_start3A_695 = tpu.memref_squeeze %dma_start3A_694 : memref<1x125x32xf32, #tpu.memory_space<vmem>> -> memref<125x32xf32, #tpu.memory_space<vmem>>
        %dma_start3A_696 = arith.constant 0 : i32
        %dma_start3A_697 = tpu.memref_slice %arg7[%sub3A_689, %dma_start3A_696] : memref<80x125xi32, #tpu.memory_space<vmem>> -> memref<1x125xi32, #tpu.memory_space<vmem>>
        %dma_start3A_698 = tpu.memref_squeeze %dma_start3A_697 : memref<1x125xi32, #tpu.memory_space<vmem>> -> memref<125xi32, #tpu.memory_space<vmem>>
        %dma_start3A_699 = arith.constant 0 : i32
        %dma_start3A_700 = arith.constant 0 : i32
        %dma_start3A_701 = tpu.memref_slice %arg2[%dma_start3A_699, %dma_start3A_700] : memref<10000x32xf32, #tpu.memory_space<hbm>> -> memref<10000x32xf32, #tpu.memory_space<hbm>>
        %dma_start3A_702 = tpu.memref_slice %arg16[%dma_start3A_691] : memref<8x!tpu.dma_semaphore, #tpu.memory_space<semaphore_mem>> -> memref<1x!tpu.dma_semaphore, #tpu.memory_space<semaphore_mem>>
        %dma_start3A_703 = tpu.memref_squeeze %dma_start3A_702 : memref<1x!tpu.dma_semaphore, #tpu.memory_space<semaphore_mem>> -> memref<!tpu.dma_semaphore, #tpu.memory_space<semaphore_mem>>
        tpu.enqueue_indirect_dma source(%dma_start3A_701 : memref<10000x32xf32, #tpu.memory_space<hbm>>) target(%dma_start3A_695 : memref<125x32xf32, #tpu.memory_space<vmem>>) offsets(%dma_start3A_698 : memref<125xi32, #tpu.memory_space<vmem>>) semaphore(%dma_start3A_703 : memref<!tpu.dma_semaphore, #tpu.memory_space<semaphore_mem>>)
      } else {
      }
      %mul3A_410 = arith.constant 8 : i32
      %mul3A_411 = arith.muli %scan3A_322, %mul3A_410 : i32
      %add3A_412 = arith.constant 2 : i32
      %add3A_413 = arith.addi %mul3A_411, %add3A_412 : i32
      %dma_wait3A_414 = arith.constant 2 : i32
      %dma_wait3A_415 = arith.constant 2 : i32
      %dma_wait3A_416 = arith.constant 0 : i32
      %dma_wait3A_417 = arith.constant 0 : i32
      %dma_wait3A_418 = tpu.memref_slice %arg9[%dma_wait3A_414, %dma_wait3A_416, %dma_wait3A_417] : memref<8x125x32xf32, #tpu.memory_space<vmem>> -> memref<1x125x32xf32, #tpu.memory_space<vmem>>
      %dma_wait3A_419 = tpu.memref_squeeze %dma_wait3A_418 : memref<1x125x32xf32, #tpu.memory_space<vmem>> -> memref<125x32xf32, #tpu.memory_space<vmem>>
      %dma_wait3A_420 = arith.constant 0 : i32
      %dma_wait3A_421 = tpu.memref_slice %arg7[%add3A_413, %dma_wait3A_420] : memref<80x125xi32, #tpu.memory_space<vmem>> -> memref<1x125xi32, #tpu.memory_space<vmem>>
      %dma_wait3A_422 = tpu.memref_squeeze %dma_wait3A_421 : memref<1x125xi32, #tpu.memory_space<vmem>> -> memref<125xi32, #tpu.memory_space<vmem>>
      %dma_wait3A_423 = arith.constant 0 : i32
      %dma_wait3A_424 = arith.constant 0 : i32
      %dma_wait3A_425 = tpu.memref_slice %arg2[%dma_wait3A_423, %dma_wait3A_424] : memref<10000x32xf32, #tpu.memory_space<hbm>> -> memref<10000x32xf32, #tpu.memory_space<hbm>>
      %dma_wait3A_426 = tpu.memref_slice %arg16[%dma_wait3A_415] : memref<8x!tpu.dma_semaphore, #tpu.memory_space<semaphore_mem>> -> memref<1x!tpu.dma_semaphore, #tpu.memory_space<semaphore_mem>>
      %dma_wait3A_427 = tpu.memref_squeeze %dma_wait3A_426 : memref<1x!tpu.dma_semaphore, #tpu.memory_space<semaphore_mem>> -> memref<!tpu.dma_semaphore, #tpu.memory_space<semaphore_mem>>
      tpu.wait_indirect_dma semaphore(%dma_wait3A_427 : memref<!tpu.dma_semaphore, #tpu.memory_space<semaphore_mem>>) src(%dma_wait3A_425 : memref<10000x32xf32, #tpu.memory_space<hbm>>) dst(%dma_wait3A_419 : memref<125x32xf32, #tpu.memory_space<vmem>>)
      %dma_start3A_428 = arith.constant 2 : i32
      %dma_start3A_429 = arith.constant 2 : i32
      %dma_start3A_430 = arith.constant 0 : i32
      %dma_start3A_431 = arith.constant 0 : i32
      %dma_start3A_432 = tpu.memref_slice %arg9[%dma_start3A_428, %dma_start3A_430, %dma_start3A_431] : memref<8x125x32xf32, #tpu.memory_space<vmem>> -> memref<1x125x32xf32, #tpu.memory_space<vmem>>
      %dma_start3A_433 = tpu.memref_squeeze %dma_start3A_432 : memref<1x125x32xf32, #tpu.memory_space<vmem>> -> memref<125x32xf32, #tpu.memory_space<vmem>>
      %dma_start3A_434 = arith.constant 0 : i32
      %dma_start3A_435 = tpu.memref_slice %arg8[%add3A_413, %dma_start3A_434] : memref<80x125xi32, #tpu.memory_space<vmem>> -> memref<1x125xi32, #tpu.memory_space<vmem>>
      %dma_start3A_436 = tpu.memref_squeeze %dma_start3A_435 : memref<1x125xi32, #tpu.memory_space<vmem>> -> memref<125xi32, #tpu.memory_space<vmem>>
      %dma_start3A_437 = arith.constant 0 : i32
      %dma_start3A_438 = arith.constant 0 : i32
      %dma_start3A_439 = tpu.memref_slice %arg11[%dma_start3A_437, %dma_start3A_438] : memref<10240x32xf32, #tpu.memory_space<vmem_shared>> -> memref<10240x32xf32, #tpu.memory_space<vmem_shared>>
      %dma_start3A_440 = tpu.memref_slice %arg17[%dma_start3A_429] : memref<8x!tpu.dma_semaphore, #tpu.memory_space<semaphore_mem>> -> memref<1x!tpu.dma_semaphore, #tpu.memory_space<semaphore_mem>>
      %dma_start3A_441 = tpu.memref_squeeze %dma_start3A_440 : memref<1x!tpu.dma_semaphore, #tpu.memory_space<semaphore_mem>> -> memref<!tpu.dma_semaphore, #tpu.memory_space<semaphore_mem>>
      tpu.enqueue_indirect_dma source(%dma_start3A_433 : memref<125x32xf32, #tpu.memory_space<vmem>>) target(%dma_start3A_439 : memref<10240x32xf32, #tpu.memory_space<vmem_shared>>) offsets(%dma_start3A_436 : memref<125xi32, #tpu.memory_space<vmem>>) semaphore(%dma_start3A_441 : memref<!tpu.dma_semaphore, #tpu.memory_space<semaphore_mem>>) {add = true}
      %ge3A_442 = arith.constant 1 : i32
      %ge3A_443 = arith.cmpi sge, %add3A_413, %ge3A_442 : i32
      %convert_element_type3A_444 = arith.extui %ge3A_443 : i1 to i32
      %cond3A_445 = arith.constant 0 : i32
      %cond3A_446 = arith.cmpi ne, %convert_element_type3A_444, %cond3A_445 : i32
      scf.if %cond3A_446 {
        %sub3A_686 = arith.constant 1 : i32
        %sub3A_687 = arith.subi %add3A_413, %sub3A_686 : i32
        %dma_wait3A_688 = arith.constant 1 : i32
        %dma_wait3A_689 = arith.constant 1 : i32
        %dma_wait3A_690 = arith.constant 0 : i32
        %dma_wait3A_691 = arith.constant 0 : i32
        %dma_wait3A_692 = tpu.memref_slice %arg9[%dma_wait3A_688, %dma_wait3A_690, %dma_wait3A_691] : memref<8x125x32xf32, #tpu.memory_space<vmem>> -> memref<1x125x32xf32, #tpu.memory_space<vmem>>
        %dma_wait3A_693 = tpu.memref_squeeze %dma_wait3A_692 : memref<1x125x32xf32, #tpu.memory_space<vmem>> -> memref<125x32xf32, #tpu.memory_space<vmem>>
        %dma_wait3A_694 = arith.constant 0 : i32
        %dma_wait3A_695 = tpu.memref_slice %arg8[%sub3A_687, %dma_wait3A_694] : memref<80x125xi32, #tpu.memory_space<vmem>> -> memref<1x125xi32, #tpu.memory_space<vmem>>
        %dma_wait3A_696 = tpu.memref_squeeze %dma_wait3A_695 : memref<1x125xi32, #tpu.memory_space<vmem>> -> memref<125xi32, #tpu.memory_space<vmem>>
        %dma_wait3A_697 = arith.constant 0 : i32
        %dma_wait3A_698 = arith.constant 0 : i32
        %dma_wait3A_699 = tpu.memref_slice %arg11[%dma_wait3A_697, %dma_wait3A_698] : memref<10240x32xf32, #tpu.memory_space<vmem_shared>> -> memref<10240x32xf32, #tpu.memory_space<vmem_shared>>
        %dma_wait3A_700 = tpu.memref_slice %arg17[%dma_wait3A_689] : memref<8x!tpu.dma_semaphore, #tpu.memory_space<semaphore_mem>> -> memref<1x!tpu.dma_semaphore, #tpu.memory_space<semaphore_mem>>
        %dma_wait3A_701 = tpu.memref_squeeze %dma_wait3A_700 : memref<1x!tpu.dma_semaphore, #tpu.memory_space<semaphore_mem>> -> memref<!tpu.dma_semaphore, #tpu.memory_space<semaphore_mem>>
        tpu.wait_indirect_dma semaphore(%dma_wait3A_701 : memref<!tpu.dma_semaphore, #tpu.memory_space<semaphore_mem>>) src(%dma_wait3A_693 : memref<125x32xf32, #tpu.memory_space<vmem>>) dst(%dma_wait3A_699 : memref<10240x32xf32, #tpu.memory_space<vmem_shared>>)
      } else {
      }
      %add3A_447 = arith.constant 8 : i32
      %add3A_448 = arith.addi %add3A_413, %add3A_447 : i32
      %sub3A_449 = arith.constant 1 : i32
      %sub3A_450 = arith.subi %add3A_448, %sub3A_449 : i32
      %lt3A_451 = arith.constant 80 : i32
      %lt3A_452 = arith.cmpi slt, %sub3A_450, %lt3A_451 : i32
      %convert_element_type3A_453 = arith.extui %lt3A_452 : i1 to i32
      %cond3A_454 = arith.constant 0 : i32
      %cond3A_455 = arith.cmpi ne, %convert_element_type3A_453, %cond3A_454 : i32
      scf.if %cond3A_455 {
        %add3A_686 = arith.constant 8 : i32
        %add3A_687 = arith.addi %add3A_413, %add3A_686 : i32
        %sub3A_688 = arith.constant 1 : i32
        %sub3A_689 = arith.subi %add3A_687, %sub3A_688 : i32
        %dma_start3A_690 = arith.constant 1 : i32
        %dma_start3A_691 = arith.constant 1 : i32
        %dma_start3A_692 = arith.constant 0 : i32
        %dma_start3A_693 = arith.constant 0 : i32
        %dma_start3A_694 = tpu.memref_slice %arg9[%dma_start3A_690, %dma_start3A_692, %dma_start3A_693] : memref<8x125x32xf32, #tpu.memory_space<vmem>> -> memref<1x125x32xf32, #tpu.memory_space<vmem>>
        %dma_start3A_695 = tpu.memref_squeeze %dma_start3A_694 : memref<1x125x32xf32, #tpu.memory_space<vmem>> -> memref<125x32xf32, #tpu.memory_space<vmem>>
        %dma_start3A_696 = arith.constant 0 : i32
        %dma_start3A_697 = tpu.memref_slice %arg7[%sub3A_689, %dma_start3A_696] : memref<80x125xi32, #tpu.memory_space<vmem>> -> memref<1x125xi32, #tpu.memory_space<vmem>>
        %dma_start3A_698 = tpu.memref_squeeze %dma_start3A_697 : memref<1x125xi32, #tpu.memory_space<vmem>> -> memref<125xi32, #tpu.memory_space<vmem>>
        %dma_start3A_699 = arith.constant 0 : i32
        %dma_start3A_700 = arith.constant 0 : i32
        %dma_start3A_701 = tpu.memref_slice %arg2[%dma_start3A_699, %dma_start3A_700] : memref<10000x32xf32, #tpu.memory_space<hbm>> -> memref<10000x32xf32, #tpu.memory_space<hbm>>
        %dma_start3A_702 = tpu.memref_slice %arg16[%dma_start3A_691] : memref<8x!tpu.dma_semaphore, #tpu.memory_space<semaphore_mem>> -> memref<1x!tpu.dma_semaphore, #tpu.memory_space<semaphore_mem>>
        %dma_start3A_703 = tpu.memref_squeeze %dma_start3A_702 : memref<1x!tpu.dma_semaphore, #tpu.memory_space<semaphore_mem>> -> memref<!tpu.dma_semaphore, #tpu.memory_space<semaphore_mem>>
        tpu.enqueue_indirect_dma source(%dma_start3A_701 : memref<10000x32xf32, #tpu.memory_space<hbm>>) target(%dma_start3A_695 : memref<125x32xf32, #tpu.memory_space<vmem>>) offsets(%dma_start3A_698 : memref<125xi32, #tpu.memory_space<vmem>>) semaphore(%dma_start3A_703 : memref<!tpu.dma_semaphore, #tpu.memory_space<semaphore_mem>>)
      } else {
      }
      %mul3A_456 = arith.constant 8 : i32
      %mul3A_457 = arith.muli %scan3A_322, %mul3A_456 : i32
      %add3A_458 = arith.constant 3 : i32
      %add3A_459 = arith.addi %mul3A_457, %add3A_458 : i32
      %dma_wait3A_460 = arith.constant 3 : i32
      %dma_wait3A_461 = arith.constant 3 : i32
      %dma_wait3A_462 = arith.constant 0 : i32
      %dma_wait3A_463 = arith.constant 0 : i32
      %dma_wait3A_464 = tpu.memref_slice %arg9[%dma_wait3A_460, %dma_wait3A_462, %dma_wait3A_463] : memref<8x125x32xf32, #tpu.memory_space<vmem>> -> memref<1x125x32xf32, #tpu.memory_space<vmem>>
      %dma_wait3A_465 = tpu.memref_squeeze %dma_wait3A_464 : memref<1x125x32xf32, #tpu.memory_space<vmem>> -> memref<125x32xf32, #tpu.memory_space<vmem>>
      %dma_wait3A_466 = arith.constant 0 : i32
      %dma_wait3A_467 = tpu.memref_slice %arg7[%add3A_459, %dma_wait3A_466] : memref<80x125xi32, #tpu.memory_space<vmem>> -> memref<1x125xi32, #tpu.memory_space<vmem>>
      %dma_wait3A_468 = tpu.memref_squeeze %dma_wait3A_467 : memref<1x125xi32, #tpu.memory_space<vmem>> -> memref<125xi32, #tpu.memory_space<vmem>>
      %dma_wait3A_469 = arith.constant 0 : i32
      %dma_wait3A_470 = arith.constant 0 : i32
      %dma_wait3A_471 = tpu.memref_slice %arg2[%dma_wait3A_469, %dma_wait3A_470] : memref<10000x32xf32, #tpu.memory_space<hbm>> -> memref<10000x32xf32, #tpu.memory_space<hbm>>
      %dma_wait3A_472 = tpu.memref_slice %arg16[%dma_wait3A_461] : memref<8x!tpu.dma_semaphore, #tpu.memory_space<semaphore_mem>> -> memref<1x!tpu.dma_semaphore, #tpu.memory_space<semaphore_mem>>
      %dma_wait3A_473 = tpu.memref_squeeze %dma_wait3A_472 : memref<1x!tpu.dma_semaphore, #tpu.memory_space<semaphore_mem>> -> memref<!tpu.dma_semaphore, #tpu.memory_space<semaphore_mem>>
      tpu.wait_indirect_dma semaphore(%dma_wait3A_473 : memref<!tpu.dma_semaphore, #tpu.memory_space<semaphore_mem>>) src(%dma_wait3A_471 : memref<10000x32xf32, #tpu.memory_space<hbm>>) dst(%dma_wait3A_465 : memref<125x32xf32, #tpu.memory_space<vmem>>)
      %dma_start3A_474 = arith.constant 3 : i32
      %dma_start3A_475 = arith.constant 3 : i32
      %dma_start3A_476 = arith.constant 0 : i32
      %dma_start3A_477 = arith.constant 0 : i32
      %dma_start3A_478 = tpu.memref_slice %arg9[%dma_start3A_474, %dma_start3A_476, %dma_start3A_477] : memref<8x125x32xf32, #tpu.memory_space<vmem>> -> memref<1x125x32xf32, #tpu.memory_space<vmem>>
      %dma_start3A_479 = tpu.memref_squeeze %dma_start3A_478 : memref<1x125x32xf32, #tpu.memory_space<vmem>> -> memref<125x32xf32, #tpu.memory_space<vmem>>
      %dma_start3A_480 = arith.constant 0 : i32
      %dma_start3A_481 = tpu.memref_slice %arg8[%add3A_459, %dma_start3A_480] : memref<80x125xi32, #tpu.memory_space<vmem>> -> memref<1x125xi32, #tpu.memory_space<vmem>>
      %dma_start3A_482 = tpu.memref_squeeze %dma_start3A_481 : memref<1x125xi32, #tpu.memory_space<vmem>> -> memref<125xi32, #tpu.memory_space<vmem>>
      %dma_start3A_483 = arith.constant 0 : i32
      %dma_start3A_484 = arith.constant 0 : i32
      %dma_start3A_485 = tpu.memref_slice %arg11[%dma_start3A_483, %dma_start3A_484] : memref<10240x32xf32, #tpu.memory_space<vmem_shared>> -> memref<10240x32xf32, #tpu.memory_space<vmem_shared>>
      %dma_start3A_486 = tpu.memref_slice %arg17[%dma_start3A_475] : memref<8x!tpu.dma_semaphore, #tpu.memory_space<semaphore_mem>> -> memref<1x!tpu.dma_semaphore, #tpu.memory_space<semaphore_mem>>
      %dma_start3A_487 = tpu.memref_squeeze %dma_start3A_486 : memref<1x!tpu.dma_semaphore, #tpu.memory_space<semaphore_mem>> -> memref<!tpu.dma_semaphore, #tpu.memory_space<semaphore_mem>>
      tpu.enqueue_indirect_dma source(%dma_start3A_479 : memref<125x32xf32, #tpu.memory_space<vmem>>) target(%dma_start3A_485 : memref<10240x32xf32, #tpu.memory_space<vmem_shared>>) offsets(%dma_start3A_482 : memref<125xi32, #tpu.memory_space<vmem>>) semaphore(%dma_start3A_487 : memref<!tpu.dma_semaphore, #tpu.memory_space<semaphore_mem>>) {add = true}
      %ge3A_488 = arith.constant 1 : i32
      %ge3A_489 = arith.cmpi sge, %add3A_459, %ge3A_488 : i32
      %convert_element_type3A_490 = arith.extui %ge3A_489 : i1 to i32
      %cond3A_491 = arith.constant 0 : i32
      %cond3A_492 = arith.cmpi ne, %convert_element_type3A_490, %cond3A_491 : i32
      scf.if %cond3A_492 {
        %sub3A_686 = arith.constant 1 : i32
        %sub3A_687 = arith.subi %add3A_459, %sub3A_686 : i32
        %dma_wait3A_688 = arith.constant 2 : i32
        %dma_wait3A_689 = arith.constant 2 : i32
        %dma_wait3A_690 = arith.constant 0 : i32
        %dma_wait3A_691 = arith.constant 0 : i32
        %dma_wait3A_692 = tpu.memref_slice %arg9[%dma_wait3A_688, %dma_wait3A_690, %dma_wait3A_691] : memref<8x125x32xf32, #tpu.memory_space<vmem>> -> memref<1x125x32xf32, #tpu.memory_space<vmem>>
        %dma_wait3A_693 = tpu.memref_squeeze %dma_wait3A_692 : memref<1x125x32xf32, #tpu.memory_space<vmem>> -> memref<125x32xf32, #tpu.memory_space<vmem>>
        %dma_wait3A_694 = arith.constant 0 : i32
        %dma_wait3A_695 = tpu.memref_slice %arg8[%sub3A_687, %dma_wait3A_694] : memref<80x125xi32, #tpu.memory_space<vmem>> -> memref<1x125xi32, #tpu.memory_space<vmem>>
        %dma_wait3A_696 = tpu.memref_squeeze %dma_wait3A_695 : memref<1x125xi32, #tpu.memory_space<vmem>> -> memref<125xi32, #tpu.memory_space<vmem>>
        %dma_wait3A_697 = arith.constant 0 : i32
        %dma_wait3A_698 = arith.constant 0 : i32
        %dma_wait3A_699 = tpu.memref_slice %arg11[%dma_wait3A_697, %dma_wait3A_698] : memref<10240x32xf32, #tpu.memory_space<vmem_shared>> -> memref<10240x32xf32, #tpu.memory_space<vmem_shared>>
        %dma_wait3A_700 = tpu.memref_slice %arg17[%dma_wait3A_689] : memref<8x!tpu.dma_semaphore, #tpu.memory_space<semaphore_mem>> -> memref<1x!tpu.dma_semaphore, #tpu.memory_space<semaphore_mem>>
        %dma_wait3A_701 = tpu.memref_squeeze %dma_wait3A_700 : memref<1x!tpu.dma_semaphore, #tpu.memory_space<semaphore_mem>> -> memref<!tpu.dma_semaphore, #tpu.memory_space<semaphore_mem>>
        tpu.wait_indirect_dma semaphore(%dma_wait3A_701 : memref<!tpu.dma_semaphore, #tpu.memory_space<semaphore_mem>>) src(%dma_wait3A_693 : memref<125x32xf32, #tpu.memory_space<vmem>>) dst(%dma_wait3A_699 : memref<10240x32xf32, #tpu.memory_space<vmem_shared>>)
      } else {
      }
      %add3A_493 = arith.constant 8 : i32
      %add3A_494 = arith.addi %add3A_459, %add3A_493 : i32
      %sub3A_495 = arith.constant 1 : i32
      %sub3A_496 = arith.subi %add3A_494, %sub3A_495 : i32
      %lt3A_497 = arith.constant 80 : i32
      %lt3A_498 = arith.cmpi slt, %sub3A_496, %lt3A_497 : i32
      %convert_element_type3A_499 = arith.extui %lt3A_498 : i1 to i32
      %cond3A_500 = arith.constant 0 : i32
      %cond3A_501 = arith.cmpi ne, %convert_element_type3A_499, %cond3A_500 : i32
      scf.if %cond3A_501 {
        %add3A_686 = arith.constant 8 : i32
        %add3A_687 = arith.addi %add3A_459, %add3A_686 : i32
        %sub3A_688 = arith.constant 1 : i32
        %sub3A_689 = arith.subi %add3A_687, %sub3A_688 : i32
        %dma_start3A_690 = arith.constant 2 : i32
        %dma_start3A_691 = arith.constant 2 : i32
        %dma_start3A_692 = arith.constant 0 : i32
        %dma_start3A_693 = arith.constant 0 : i32
        %dma_start3A_694 = tpu.memref_slice %arg9[%dma_start3A_690, %dma_start3A_692, %dma_start3A_693] : memref<8x125x32xf32, #tpu.memory_space<vmem>> -> memref<1x125x32xf32, #tpu.memory_space<vmem>>
        %dma_start3A_695 = tpu.memref_squeeze %dma_start3A_694 : memref<1x125x32xf32, #tpu.memory_space<vmem>> -> memref<125x32xf32, #tpu.memory_space<vmem>>
        %dma_start3A_696 = arith.constant 0 : i32
        %dma_start3A_697 = tpu.memref_slice %arg7[%sub3A_689, %dma_start3A_696] : memref<80x125xi32, #tpu.memory_space<vmem>> -> memref<1x125xi32, #tpu.memory_space<vmem>>
        %dma_start3A_698 = tpu.memref_squeeze %dma_start3A_697 : memref<1x125xi32, #tpu.memory_space<vmem>> -> memref<125xi32, #tpu.memory_space<vmem>>
        %dma_start3A_699 = arith.constant 0 : i32
        %dma_start3A_700 = arith.constant 0 : i32
        %dma_start3A_701 = tpu.memref_slice %arg2[%dma_start3A_699, %dma_start3A_700] : memref<10000x32xf32, #tpu.memory_space<hbm>> -> memref<10000x32xf32, #tpu.memory_space<hbm>>
        %dma_start3A_702 = tpu.memref_slice %arg16[%dma_start3A_691] : memref<8x!tpu.dma_semaphore, #tpu.memory_space<semaphore_mem>> -> memref<1x!tpu.dma_semaphore, #tpu.memory_space<semaphore_mem>>
        %dma_start3A_703 = tpu.memref_squeeze %dma_start3A_702 : memref<1x!tpu.dma_semaphore, #tpu.memory_space<semaphore_mem>> -> memref<!tpu.dma_semaphore, #tpu.memory_space<semaphore_mem>>
        tpu.enqueue_indirect_dma source(%dma_start3A_701 : memref<10000x32xf32, #tpu.memory_space<hbm>>) target(%dma_start3A_695 : memref<125x32xf32, #tpu.memory_space<vmem>>) offsets(%dma_start3A_698 : memref<125xi32, #tpu.memory_space<vmem>>) semaphore(%dma_start3A_703 : memref<!tpu.dma_semaphore, #tpu.memory_space<semaphore_mem>>)
      } else {
      }
      %mul3A_502 = arith.constant 8 : i32
      %mul3A_503 = arith.muli %scan3A_322, %mul3A_502 : i32
      %add3A_504 = arith.constant 4 : i32
      %add3A_505 = arith.addi %mul3A_503, %add3A_504 : i32
      %dma_wait3A_506 = arith.constant 4 : i32
      %dma_wait3A_507 = arith.constant 4 : i32
      %dma_wait3A_508 = arith.constant 0 : i32
      %dma_wait3A_509 = arith.constant 0 : i32
      %dma_wait3A_510 = tpu.memref_slice %arg9[%dma_wait3A_506, %dma_wait3A_508, %dma_wait3A_509] : memref<8x125x32xf32, #tpu.memory_space<vmem>> -> memref<1x125x32xf32, #tpu.memory_space<vmem>>
      %dma_wait3A_511 = tpu.memref_squeeze %dma_wait3A_510 : memref<1x125x32xf32, #tpu.memory_space<vmem>> -> memref<125x32xf32, #tpu.memory_space<vmem>>
      %dma_wait3A_512 = arith.constant 0 : i32
      %dma_wait3A_513 = tpu.memref_slice %arg7[%add3A_505, %dma_wait3A_512] : memref<80x125xi32, #tpu.memory_space<vmem>> -> memref<1x125xi32, #tpu.memory_space<vmem>>
      %dma_wait3A_514 = tpu.memref_squeeze %dma_wait3A_513 : memref<1x125xi32, #tpu.memory_space<vmem>> -> memref<125xi32, #tpu.memory_space<vmem>>
      %dma_wait3A_515 = arith.constant 0 : i32
      %dma_wait3A_516 = arith.constant 0 : i32
      %dma_wait3A_517 = tpu.memref_slice %arg2[%dma_wait3A_515, %dma_wait3A_516] : memref<10000x32xf32, #tpu.memory_space<hbm>> -> memref<10000x32xf32, #tpu.memory_space<hbm>>
      %dma_wait3A_518 = tpu.memref_slice %arg16[%dma_wait3A_507] : memref<8x!tpu.dma_semaphore, #tpu.memory_space<semaphore_mem>> -> memref<1x!tpu.dma_semaphore, #tpu.memory_space<semaphore_mem>>
      %dma_wait3A_519 = tpu.memref_squeeze %dma_wait3A_518 : memref<1x!tpu.dma_semaphore, #tpu.memory_space<semaphore_mem>> -> memref<!tpu.dma_semaphore, #tpu.memory_space<semaphore_mem>>
      tpu.wait_indirect_dma semaphore(%dma_wait3A_519 : memref<!tpu.dma_semaphore, #tpu.memory_space<semaphore_mem>>) src(%dma_wait3A_517 : memref<10000x32xf32, #tpu.memory_space<hbm>>) dst(%dma_wait3A_511 : memref<125x32xf32, #tpu.memory_space<vmem>>)
      %dma_start3A_520 = arith.constant 4 : i32
      %dma_start3A_521 = arith.constant 4 : i32
      %dma_start3A_522 = arith.constant 0 : i32
      %dma_start3A_523 = arith.constant 0 : i32
      %dma_start3A_524 = tpu.memref_slice %arg9[%dma_start3A_520, %dma_start3A_522, %dma_start3A_523] : memref<8x125x32xf32, #tpu.memory_space<vmem>> -> memref<1x125x32xf32, #tpu.memory_space<vmem>>
      %dma_start3A_525 = tpu.memref_squeeze %dma_start3A_524 : memref<1x125x32xf32, #tpu.memory_space<vmem>> -> memref<125x32xf32, #tpu.memory_space<vmem>>
      %dma_start3A_526 = arith.constant 0 : i32
      %dma_start3A_527 = tpu.memref_slice %arg8[%add3A_505, %dma_start3A_526] : memref<80x125xi32, #tpu.memory_space<vmem>> -> memref<1x125xi32, #tpu.memory_space<vmem>>
      %dma_start3A_528 = tpu.memref_squeeze %dma_start3A_527 : memref<1x125xi32, #tpu.memory_space<vmem>> -> memref<125xi32, #tpu.memory_space<vmem>>
      %dma_start3A_529 = arith.constant 0 : i32
      %dma_start3A_530 = arith.constant 0 : i32
      %dma_start3A_531 = tpu.memref_slice %arg11[%dma_start3A_529, %dma_start3A_530] : memref<10240x32xf32, #tpu.memory_space<vmem_shared>> -> memref<10240x32xf32, #tpu.memory_space<vmem_shared>>
      %dma_start3A_532 = tpu.memref_slice %arg17[%dma_start3A_521] : memref<8x!tpu.dma_semaphore, #tpu.memory_space<semaphore_mem>> -> memref<1x!tpu.dma_semaphore, #tpu.memory_space<semaphore_mem>>
      %dma_start3A_533 = tpu.memref_squeeze %dma_start3A_532 : memref<1x!tpu.dma_semaphore, #tpu.memory_space<semaphore_mem>> -> memref<!tpu.dma_semaphore, #tpu.memory_space<semaphore_mem>>
      tpu.enqueue_indirect_dma source(%dma_start3A_525 : memref<125x32xf32, #tpu.memory_space<vmem>>) target(%dma_start3A_531 : memref<10240x32xf32, #tpu.memory_space<vmem_shared>>) offsets(%dma_start3A_528 : memref<125xi32, #tpu.memory_space<vmem>>) semaphore(%dma_start3A_533 : memref<!tpu.dma_semaphore, #tpu.memory_space<semaphore_mem>>) {add = true}
      %ge3A_534 = arith.constant 1 : i32
      %ge3A_535 = arith.cmpi sge, %add3A_505, %ge3A_534 : i32
      %convert_element_type3A_536 = arith.extui %ge3A_535 : i1 to i32
      %cond3A_537 = arith.constant 0 : i32
      %cond3A_538 = arith.cmpi ne, %convert_element_type3A_536, %cond3A_537 : i32
      scf.if %cond3A_538 {
        %sub3A_686 = arith.constant 1 : i32
        %sub3A_687 = arith.subi %add3A_505, %sub3A_686 : i32
        %dma_wait3A_688 = arith.constant 3 : i32
        %dma_wait3A_689 = arith.constant 3 : i32
        %dma_wait3A_690 = arith.constant 0 : i32
        %dma_wait3A_691 = arith.constant 0 : i32
        %dma_wait3A_692 = tpu.memref_slice %arg9[%dma_wait3A_688, %dma_wait3A_690, %dma_wait3A_691] : memref<8x125x32xf32, #tpu.memory_space<vmem>> -> memref<1x125x32xf32, #tpu.memory_space<vmem>>
        %dma_wait3A_693 = tpu.memref_squeeze %dma_wait3A_692 : memref<1x125x32xf32, #tpu.memory_space<vmem>> -> memref<125x32xf32, #tpu.memory_space<vmem>>
        %dma_wait3A_694 = arith.constant 0 : i32
        %dma_wait3A_695 = tpu.memref_slice %arg8[%sub3A_687, %dma_wait3A_694] : memref<80x125xi32, #tpu.memory_space<vmem>> -> memref<1x125xi32, #tpu.memory_space<vmem>>
        %dma_wait3A_696 = tpu.memref_squeeze %dma_wait3A_695 : memref<1x125xi32, #tpu.memory_space<vmem>> -> memref<125xi32, #tpu.memory_space<vmem>>
        %dma_wait3A_697 = arith.constant 0 : i32
        %dma_wait3A_698 = arith.constant 0 : i32
        %dma_wait3A_699 = tpu.memref_slice %arg11[%dma_wait3A_697, %dma_wait3A_698] : memref<10240x32xf32, #tpu.memory_space<vmem_shared>> -> memref<10240x32xf32, #tpu.memory_space<vmem_shared>>
        %dma_wait3A_700 = tpu.memref_slice %arg17[%dma_wait3A_689] : memref<8x!tpu.dma_semaphore, #tpu.memory_space<semaphore_mem>> -> memref<1x!tpu.dma_semaphore, #tpu.memory_space<semaphore_mem>>
        %dma_wait3A_701 = tpu.memref_squeeze %dma_wait3A_700 : memref<1x!tpu.dma_semaphore, #tpu.memory_space<semaphore_mem>> -> memref<!tpu.dma_semaphore, #tpu.memory_space<semaphore_mem>>
        tpu.wait_indirect_dma semaphore(%dma_wait3A_701 : memref<!tpu.dma_semaphore, #tpu.memory_space<semaphore_mem>>) src(%dma_wait3A_693 : memref<125x32xf32, #tpu.memory_space<vmem>>) dst(%dma_wait3A_699 : memref<10240x32xf32, #tpu.memory_space<vmem_shared>>)
      } else {
      }
      %add3A_539 = arith.constant 8 : i32
      %add3A_540 = arith.addi %add3A_505, %add3A_539 : i32
      %sub3A_541 = arith.constant 1 : i32
      %sub3A_542 = arith.subi %add3A_540, %sub3A_541 : i32
      %lt3A_543 = arith.constant 80 : i32
      %lt3A_544 = arith.cmpi slt, %sub3A_542, %lt3A_543 : i32
      %convert_element_type3A_545 = arith.extui %lt3A_544 : i1 to i32
      %cond3A_546 = arith.constant 0 : i32
      %cond3A_547 = arith.cmpi ne, %convert_element_type3A_545, %cond3A_546 : i32
      scf.if %cond3A_547 {
        %add3A_686 = arith.constant 8 : i32
        %add3A_687 = arith.addi %add3A_505, %add3A_686 : i32
        %sub3A_688 = arith.constant 1 : i32
        %sub3A_689 = arith.subi %add3A_687, %sub3A_688 : i32
        %dma_start3A_690 = arith.constant 3 : i32
        %dma_start3A_691 = arith.constant 3 : i32
        %dma_start3A_692 = arith.constant 0 : i32
        %dma_start3A_693 = arith.constant 0 : i32
        %dma_start3A_694 = tpu.memref_slice %arg9[%dma_start3A_690, %dma_start3A_692, %dma_start3A_693] : memref<8x125x32xf32, #tpu.memory_space<vmem>> -> memref<1x125x32xf32, #tpu.memory_space<vmem>>
        %dma_start3A_695 = tpu.memref_squeeze %dma_start3A_694 : memref<1x125x32xf32, #tpu.memory_space<vmem>> -> memref<125x32xf32, #tpu.memory_space<vmem>>
        %dma_start3A_696 = arith.constant 0 : i32
        %dma_start3A_697 = tpu.memref_slice %arg7[%sub3A_689, %dma_start3A_696] : memref<80x125xi32, #tpu.memory_space<vmem>> -> memref<1x125xi32, #tpu.memory_space<vmem>>
        %dma_start3A_698 = tpu.memref_squeeze %dma_start3A_697 : memref<1x125xi32, #tpu.memory_space<vmem>> -> memref<125xi32, #tpu.memory_space<vmem>>
        %dma_start3A_699 = arith.constant 0 : i32
        %dma_start3A_700 = arith.constant 0 : i32
        %dma_start3A_701 = tpu.memref_slice %arg2[%dma_start3A_699, %dma_start3A_700] : memref<10000x32xf32, #tpu.memory_space<hbm>> -> memref<10000x32xf32, #tpu.memory_space<hbm>>
        %dma_start3A_702 = tpu.memref_slice %arg16[%dma_start3A_691] : memref<8x!tpu.dma_semaphore, #tpu.memory_space<semaphore_mem>> -> memref<1x!tpu.dma_semaphore, #tpu.memory_space<semaphore_mem>>
        %dma_start3A_703 = tpu.memref_squeeze %dma_start3A_702 : memref<1x!tpu.dma_semaphore, #tpu.memory_space<semaphore_mem>> -> memref<!tpu.dma_semaphore, #tpu.memory_space<semaphore_mem>>
        tpu.enqueue_indirect_dma source(%dma_start3A_701 : memref<10000x32xf32, #tpu.memory_space<hbm>>) target(%dma_start3A_695 : memref<125x32xf32, #tpu.memory_space<vmem>>) offsets(%dma_start3A_698 : memref<125xi32, #tpu.memory_space<vmem>>) semaphore(%dma_start3A_703 : memref<!tpu.dma_semaphore, #tpu.memory_space<semaphore_mem>>)
      } else {
      }
      %mul3A_548 = arith.constant 8 : i32
      %mul3A_549 = arith.muli %scan3A_322, %mul3A_548 : i32
      %add3A_550 = arith.constant 5 : i32
      %add3A_551 = arith.addi %mul3A_549, %add3A_550 : i32
      %dma_wait3A_552 = arith.constant 5 : i32
      %dma_wait3A_553 = arith.constant 5 : i32
      %dma_wait3A_554 = arith.constant 0 : i32
      %dma_wait3A_555 = arith.constant 0 : i32
      %dma_wait3A_556 = tpu.memref_slice %arg9[%dma_wait3A_552, %dma_wait3A_554, %dma_wait3A_555] : memref<8x125x32xf32, #tpu.memory_space<vmem>> -> memref<1x125x32xf32, #tpu.memory_space<vmem>>
      %dma_wait3A_557 = tpu.memref_squeeze %dma_wait3A_556 : memref<1x125x32xf32, #tpu.memory_space<vmem>> -> memref<125x32xf32, #tpu.memory_space<vmem>>
      %dma_wait3A_558 = arith.constant 0 : i32
      %dma_wait3A_559 = tpu.memref_slice %arg7[%add3A_551, %dma_wait3A_558] : memref<80x125xi32, #tpu.memory_space<vmem>> -> memref<1x125xi32, #tpu.memory_space<vmem>>
      %dma_wait3A_560 = tpu.memref_squeeze %dma_wait3A_559 : memref<1x125xi32, #tpu.memory_space<vmem>> -> memref<125xi32, #tpu.memory_space<vmem>>
      %dma_wait3A_561 = arith.constant 0 : i32
      %dma_wait3A_562 = arith.constant 0 : i32
      %dma_wait3A_563 = tpu.memref_slice %arg2[%dma_wait3A_561, %dma_wait3A_562] : memref<10000x32xf32, #tpu.memory_space<hbm>> -> memref<10000x32xf32, #tpu.memory_space<hbm>>
      %dma_wait3A_564 = tpu.memref_slice %arg16[%dma_wait3A_553] : memref<8x!tpu.dma_semaphore, #tpu.memory_space<semaphore_mem>> -> memref<1x!tpu.dma_semaphore, #tpu.memory_space<semaphore_mem>>
      %dma_wait3A_565 = tpu.memref_squeeze %dma_wait3A_564 : memref<1x!tpu.dma_semaphore, #tpu.memory_space<semaphore_mem>> -> memref<!tpu.dma_semaphore, #tpu.memory_space<semaphore_mem>>
      tpu.wait_indirect_dma semaphore(%dma_wait3A_565 : memref<!tpu.dma_semaphore, #tpu.memory_space<semaphore_mem>>) src(%dma_wait3A_563 : memref<10000x32xf32, #tpu.memory_space<hbm>>) dst(%dma_wait3A_557 : memref<125x32xf32, #tpu.memory_space<vmem>>)
      %dma_start3A_566 = arith.constant 5 : i32
      %dma_start3A_567 = arith.constant 5 : i32
      %dma_start3A_568 = arith.constant 0 : i32
      %dma_start3A_569 = arith.constant 0 : i32
      %dma_start3A_570 = tpu.memref_slice %arg9[%dma_start3A_566, %dma_start3A_568, %dma_start3A_569] : memref<8x125x32xf32, #tpu.memory_space<vmem>> -> memref<1x125x32xf32, #tpu.memory_space<vmem>>
      %dma_start3A_571 = tpu.memref_squeeze %dma_start3A_570 : memref<1x125x32xf32, #tpu.memory_space<vmem>> -> memref<125x32xf32, #tpu.memory_space<vmem>>
      %dma_start3A_572 = arith.constant 0 : i32
      %dma_start3A_573 = tpu.memref_slice %arg8[%add3A_551, %dma_start3A_572] : memref<80x125xi32, #tpu.memory_space<vmem>> -> memref<1x125xi32, #tpu.memory_space<vmem>>
      %dma_start3A_574 = tpu.memref_squeeze %dma_start3A_573 : memref<1x125xi32, #tpu.memory_space<vmem>> -> memref<125xi32, #tpu.memory_space<vmem>>
      %dma_start3A_575 = arith.constant 0 : i32
      %dma_start3A_576 = arith.constant 0 : i32
      %dma_start3A_577 = tpu.memref_slice %arg11[%dma_start3A_575, %dma_start3A_576] : memref<10240x32xf32, #tpu.memory_space<vmem_shared>> -> memref<10240x32xf32, #tpu.memory_space<vmem_shared>>
      %dma_start3A_578 = tpu.memref_slice %arg17[%dma_start3A_567] : memref<8x!tpu.dma_semaphore, #tpu.memory_space<semaphore_mem>> -> memref<1x!tpu.dma_semaphore, #tpu.memory_space<semaphore_mem>>
      %dma_start3A_579 = tpu.memref_squeeze %dma_start3A_578 : memref<1x!tpu.dma_semaphore, #tpu.memory_space<semaphore_mem>> -> memref<!tpu.dma_semaphore, #tpu.memory_space<semaphore_mem>>
      tpu.enqueue_indirect_dma source(%dma_start3A_571 : memref<125x32xf32, #tpu.memory_space<vmem>>) target(%dma_start3A_577 : memref<10240x32xf32, #tpu.memory_space<vmem_shared>>) offsets(%dma_start3A_574 : memref<125xi32, #tpu.memory_space<vmem>>) semaphore(%dma_start3A_579 : memref<!tpu.dma_semaphore, #tpu.memory_space<semaphore_mem>>) {add = true}
      %ge3A_580 = arith.constant 1 : i32
      %ge3A_581 = arith.cmpi sge, %add3A_551, %ge3A_580 : i32
      %convert_element_type3A_582 = arith.extui %ge3A_581 : i1 to i32
      %cond3A_583 = arith.constant 0 : i32
      %cond3A_584 = arith.cmpi ne, %convert_element_type3A_582, %cond3A_583 : i32
      scf.if %cond3A_584 {
        %sub3A_686 = arith.constant 1 : i32
        %sub3A_687 = arith.subi %add3A_551, %sub3A_686 : i32
        %dma_wait3A_688 = arith.constant 4 : i32
        %dma_wait3A_689 = arith.constant 4 : i32
        %dma_wait3A_690 = arith.constant 0 : i32
        %dma_wait3A_691 = arith.constant 0 : i32
        %dma_wait3A_692 = tpu.memref_slice %arg9[%dma_wait3A_688, %dma_wait3A_690, %dma_wait3A_691] : memref<8x125x32xf32, #tpu.memory_space<vmem>> -> memref<1x125x32xf32, #tpu.memory_space<vmem>>
        %dma_wait3A_693 = tpu.memref_squeeze %dma_wait3A_692 : memref<1x125x32xf32, #tpu.memory_space<vmem>> -> memref<125x32xf32, #tpu.memory_space<vmem>>
        %dma_wait3A_694 = arith.constant 0 : i32
        %dma_wait3A_695 = tpu.memref_slice %arg8[%sub3A_687, %dma_wait3A_694] : memref<80x125xi32, #tpu.memory_space<vmem>> -> memref<1x125xi32, #tpu.memory_space<vmem>>
        %dma_wait3A_696 = tpu.memref_squeeze %dma_wait3A_695 : memref<1x125xi32, #tpu.memory_space<vmem>> -> memref<125xi32, #tpu.memory_space<vmem>>
        %dma_wait3A_697 = arith.constant 0 : i32
        %dma_wait3A_698 = arith.constant 0 : i32
        %dma_wait3A_699 = tpu.memref_slice %arg11[%dma_wait3A_697, %dma_wait3A_698] : memref<10240x32xf32, #tpu.memory_space<vmem_shared>> -> memref<10240x32xf32, #tpu.memory_space<vmem_shared>>
        %dma_wait3A_700 = tpu.memref_slice %arg17[%dma_wait3A_689] : memref<8x!tpu.dma_semaphore, #tpu.memory_space<semaphore_mem>> -> memref<1x!tpu.dma_semaphore, #tpu.memory_space<semaphore_mem>>
        %dma_wait3A_701 = tpu.memref_squeeze %dma_wait3A_700 : memref<1x!tpu.dma_semaphore, #tpu.memory_space<semaphore_mem>> -> memref<!tpu.dma_semaphore, #tpu.memory_space<semaphore_mem>>
        tpu.wait_indirect_dma semaphore(%dma_wait3A_701 : memref<!tpu.dma_semaphore, #tpu.memory_space<semaphore_mem>>) src(%dma_wait3A_693 : memref<125x32xf32, #tpu.memory_space<vmem>>) dst(%dma_wait3A_699 : memref<10240x32xf32, #tpu.memory_space<vmem_shared>>)
      } else {
      }
      %add3A_585 = arith.constant 8 : i32
      %add3A_586 = arith.addi %add3A_551, %add3A_585 : i32
      %sub3A_587 = arith.constant 1 : i32
      %sub3A_588 = arith.subi %add3A_586, %sub3A_587 : i32
      %lt3A_589 = arith.constant 80 : i32
      %lt3A_590 = arith.cmpi slt, %sub3A_588, %lt3A_589 : i32
      %convert_element_type3A_591 = arith.extui %lt3A_590 : i1 to i32
      %cond3A_592 = arith.constant 0 : i32
      %cond3A_593 = arith.cmpi ne, %convert_element_type3A_591, %cond3A_592 : i32
      scf.if %cond3A_593 {
        %add3A_686 = arith.constant 8 : i32
        %add3A_687 = arith.addi %add3A_551, %add3A_686 : i32
        %sub3A_688 = arith.constant 1 : i32
        %sub3A_689 = arith.subi %add3A_687, %sub3A_688 : i32
        %dma_start3A_690 = arith.constant 4 : i32
        %dma_start3A_691 = arith.constant 4 : i32
        %dma_start3A_692 = arith.constant 0 : i32
        %dma_start3A_693 = arith.constant 0 : i32
        %dma_start3A_694 = tpu.memref_slice %arg9[%dma_start3A_690, %dma_start3A_692, %dma_start3A_693] : memref<8x125x32xf32, #tpu.memory_space<vmem>> -> memref<1x125x32xf32, #tpu.memory_space<vmem>>
        %dma_start3A_695 = tpu.memref_squeeze %dma_start3A_694 : memref<1x125x32xf32, #tpu.memory_space<vmem>> -> memref<125x32xf32, #tpu.memory_space<vmem>>
        %dma_start3A_696 = arith.constant 0 : i32
        %dma_start3A_697 = tpu.memref_slice %arg7[%sub3A_689, %dma_start3A_696] : memref<80x125xi32, #tpu.memory_space<vmem>> -> memref<1x125xi32, #tpu.memory_space<vmem>>
        %dma_start3A_698 = tpu.memref_squeeze %dma_start3A_697 : memref<1x125xi32, #tpu.memory_space<vmem>> -> memref<125xi32, #tpu.memory_space<vmem>>
        %dma_start3A_699 = arith.constant 0 : i32
        %dma_start3A_700 = arith.constant 0 : i32
        %dma_start3A_701 = tpu.memref_slice %arg2[%dma_start3A_699, %dma_start3A_700] : memref<10000x32xf32, #tpu.memory_space<hbm>> -> memref<10000x32xf32, #tpu.memory_space<hbm>>
        %dma_start3A_702 = tpu.memref_slice %arg16[%dma_start3A_691] : memref<8x!tpu.dma_semaphore, #tpu.memory_space<semaphore_mem>> -> memref<1x!tpu.dma_semaphore, #tpu.memory_space<semaphore_mem>>
        %dma_start3A_703 = tpu.memref_squeeze %dma_start3A_702 : memref<1x!tpu.dma_semaphore, #tpu.memory_space<semaphore_mem>> -> memref<!tpu.dma_semaphore, #tpu.memory_space<semaphore_mem>>
        tpu.enqueue_indirect_dma source(%dma_start3A_701 : memref<10000x32xf32, #tpu.memory_space<hbm>>) target(%dma_start3A_695 : memref<125x32xf32, #tpu.memory_space<vmem>>) offsets(%dma_start3A_698 : memref<125xi32, #tpu.memory_space<vmem>>) semaphore(%dma_start3A_703 : memref<!tpu.dma_semaphore, #tpu.memory_space<semaphore_mem>>)
      } else {
      }
      %mul3A_594 = arith.constant 8 : i32
      %mul3A_595 = arith.muli %scan3A_322, %mul3A_594 : i32
      %add3A_596 = arith.constant 6 : i32
      %add3A_597 = arith.addi %mul3A_595, %add3A_596 : i32
      %dma_wait3A_598 = arith.constant 6 : i32
      %dma_wait3A_599 = arith.constant 6 : i32
      %dma_wait3A_600 = arith.constant 0 : i32
      %dma_wait3A_601 = arith.constant 0 : i32
      %dma_wait3A_602 = tpu.memref_slice %arg9[%dma_wait3A_598, %dma_wait3A_600, %dma_wait3A_601] : memref<8x125x32xf32, #tpu.memory_space<vmem>> -> memref<1x125x32xf32, #tpu.memory_space<vmem>>
      %dma_wait3A_603 = tpu.memref_squeeze %dma_wait3A_602 : memref<1x125x32xf32, #tpu.memory_space<vmem>> -> memref<125x32xf32, #tpu.memory_space<vmem>>
      %dma_wait3A_604 = arith.constant 0 : i32
      %dma_wait3A_605 = tpu.memref_slice %arg7[%add3A_597, %dma_wait3A_604] : memref<80x125xi32, #tpu.memory_space<vmem>> -> memref<1x125xi32, #tpu.memory_space<vmem>>
      %dma_wait3A_606 = tpu.memref_squeeze %dma_wait3A_605 : memref<1x125xi32, #tpu.memory_space<vmem>> -> memref<125xi32, #tpu.memory_space<vmem>>
      %dma_wait3A_607 = arith.constant 0 : i32
      %dma_wait3A_608 = arith.constant 0 : i32
      %dma_wait3A_609 = tpu.memref_slice %arg2[%dma_wait3A_607, %dma_wait3A_608] : memref<10000x32xf32, #tpu.memory_space<hbm>> -> memref<10000x32xf32, #tpu.memory_space<hbm>>
      %dma_wait3A_610 = tpu.memref_slice %arg16[%dma_wait3A_599] : memref<8x!tpu.dma_semaphore, #tpu.memory_space<semaphore_mem>> -> memref<1x!tpu.dma_semaphore, #tpu.memory_space<semaphore_mem>>
      %dma_wait3A_611 = tpu.memref_squeeze %dma_wait3A_610 : memref<1x!tpu.dma_semaphore, #tpu.memory_space<semaphore_mem>> -> memref<!tpu.dma_semaphore, #tpu.memory_space<semaphore_mem>>
      tpu.wait_indirect_dma semaphore(%dma_wait3A_611 : memref<!tpu.dma_semaphore, #tpu.memory_space<semaphore_mem>>) src(%dma_wait3A_609 : memref<10000x32xf32, #tpu.memory_space<hbm>>) dst(%dma_wait3A_603 : memref<125x32xf32, #tpu.memory_space<vmem>>)
      %dma_start3A_612 = arith.constant 6 : i32
      %dma_start3A_613 = arith.constant 6 : i32
      %dma_start3A_614 = arith.constant 0 : i32
      %dma_start3A_615 = arith.constant 0 : i32
      %dma_start3A_616 = tpu.memref_slice %arg9[%dma_start3A_612, %dma_start3A_614, %dma_start3A_615] : memref<8x125x32xf32, #tpu.memory_space<vmem>> -> memref<1x125x32xf32, #tpu.memory_space<vmem>>
      %dma_start3A_617 = tpu.memref_squeeze %dma_start3A_616 : memref<1x125x32xf32, #tpu.memory_space<vmem>> -> memref<125x32xf32, #tpu.memory_space<vmem>>
      %dma_start3A_618 = arith.constant 0 : i32
      %dma_start3A_619 = tpu.memref_slice %arg8[%add3A_597, %dma_start3A_618] : memref<80x125xi32, #tpu.memory_space<vmem>> -> memref<1x125xi32, #tpu.memory_space<vmem>>
      %dma_start3A_620 = tpu.memref_squeeze %dma_start3A_619 : memref<1x125xi32, #tpu.memory_space<vmem>> -> memref<125xi32, #tpu.memory_space<vmem>>
      %dma_start3A_621 = arith.constant 0 : i32
      %dma_start3A_622 = arith.constant 0 : i32
      %dma_start3A_623 = tpu.memref_slice %arg11[%dma_start3A_621, %dma_start3A_622] : memref<10240x32xf32, #tpu.memory_space<vmem_shared>> -> memref<10240x32xf32, #tpu.memory_space<vmem_shared>>
      %dma_start3A_624 = tpu.memref_slice %arg17[%dma_start3A_613] : memref<8x!tpu.dma_semaphore, #tpu.memory_space<semaphore_mem>> -> memref<1x!tpu.dma_semaphore, #tpu.memory_space<semaphore_mem>>
      %dma_start3A_625 = tpu.memref_squeeze %dma_start3A_624 : memref<1x!tpu.dma_semaphore, #tpu.memory_space<semaphore_mem>> -> memref<!tpu.dma_semaphore, #tpu.memory_space<semaphore_mem>>
      tpu.enqueue_indirect_dma source(%dma_start3A_617 : memref<125x32xf32, #tpu.memory_space<vmem>>) target(%dma_start3A_623 : memref<10240x32xf32, #tpu.memory_space<vmem_shared>>) offsets(%dma_start3A_620 : memref<125xi32, #tpu.memory_space<vmem>>) semaphore(%dma_start3A_625 : memref<!tpu.dma_semaphore, #tpu.memory_space<semaphore_mem>>) {add = true}
      %ge3A_626 = arith.constant 1 : i32
      %ge3A_627 = arith.cmpi sge, %add3A_597, %ge3A_626 : i32
      %convert_element_type3A_628 = arith.extui %ge3A_627 : i1 to i32
      %cond3A_629 = arith.constant 0 : i32
      %cond3A_630 = arith.cmpi ne, %convert_element_type3A_628, %cond3A_629 : i32
      scf.if %cond3A_630 {
        %sub3A_686 = arith.constant 1 : i32
        %sub3A_687 = arith.subi %add3A_597, %sub3A_686 : i32
        %dma_wait3A_688 = arith.constant 5 : i32
        %dma_wait3A_689 = arith.constant 5 : i32
        %dma_wait3A_690 = arith.constant 0 : i32
        %dma_wait3A_691 = arith.constant 0 : i32
        %dma_wait3A_692 = tpu.memref_slice %arg9[%dma_wait3A_688, %dma_wait3A_690, %dma_wait3A_691] : memref<8x125x32xf32, #tpu.memory_space<vmem>> -> memref<1x125x32xf32, #tpu.memory_space<vmem>>
        %dma_wait3A_693 = tpu.memref_squeeze %dma_wait3A_692 : memref<1x125x32xf32, #tpu.memory_space<vmem>> -> memref<125x32xf32, #tpu.memory_space<vmem>>
        %dma_wait3A_694 = arith.constant 0 : i32
        %dma_wait3A_695 = tpu.memref_slice %arg8[%sub3A_687, %dma_wait3A_694] : memref<80x125xi32, #tpu.memory_space<vmem>> -> memref<1x125xi32, #tpu.memory_space<vmem>>
        %dma_wait3A_696 = tpu.memref_squeeze %dma_wait3A_695 : memref<1x125xi32, #tpu.memory_space<vmem>> -> memref<125xi32, #tpu.memory_space<vmem>>
        %dma_wait3A_697 = arith.constant 0 : i32
        %dma_wait3A_698 = arith.constant 0 : i32
        %dma_wait3A_699 = tpu.memref_slice %arg11[%dma_wait3A_697, %dma_wait3A_698] : memref<10240x32xf32, #tpu.memory_space<vmem_shared>> -> memref<10240x32xf32, #tpu.memory_space<vmem_shared>>
        %dma_wait3A_700 = tpu.memref_slice %arg17[%dma_wait3A_689] : memref<8x!tpu.dma_semaphore, #tpu.memory_space<semaphore_mem>> -> memref<1x!tpu.dma_semaphore, #tpu.memory_space<semaphore_mem>>
        %dma_wait3A_701 = tpu.memref_squeeze %dma_wait3A_700 : memref<1x!tpu.dma_semaphore, #tpu.memory_space<semaphore_mem>> -> memref<!tpu.dma_semaphore, #tpu.memory_space<semaphore_mem>>
        tpu.wait_indirect_dma semaphore(%dma_wait3A_701 : memref<!tpu.dma_semaphore, #tpu.memory_space<semaphore_mem>>) src(%dma_wait3A_693 : memref<125x32xf32, #tpu.memory_space<vmem>>) dst(%dma_wait3A_699 : memref<10240x32xf32, #tpu.memory_space<vmem_shared>>)
      } else {
      }
      %add3A_631 = arith.constant 8 : i32
      %add3A_632 = arith.addi %add3A_597, %add3A_631 : i32
      %sub3A_633 = arith.constant 1 : i32
      %sub3A_634 = arith.subi %add3A_632, %sub3A_633 : i32
      %lt3A_635 = arith.constant 80 : i32
      %lt3A_636 = arith.cmpi slt, %sub3A_634, %lt3A_635 : i32
      %convert_element_type3A_637 = arith.extui %lt3A_636 : i1 to i32
      %cond3A_638 = arith.constant 0 : i32
      %cond3A_639 = arith.cmpi ne, %convert_element_type3A_637, %cond3A_638 : i32
      scf.if %cond3A_639 {
        %add3A_686 = arith.constant 8 : i32
        %add3A_687 = arith.addi %add3A_597, %add3A_686 : i32
        %sub3A_688 = arith.constant 1 : i32
        %sub3A_689 = arith.subi %add3A_687, %sub3A_688 : i32
        %dma_start3A_690 = arith.constant 5 : i32
        %dma_start3A_691 = arith.constant 5 : i32
        %dma_start3A_692 = arith.constant 0 : i32
        %dma_start3A_693 = arith.constant 0 : i32
        %dma_start3A_694 = tpu.memref_slice %arg9[%dma_start3A_690, %dma_start3A_692, %dma_start3A_693] : memref<8x125x32xf32, #tpu.memory_space<vmem>> -> memref<1x125x32xf32, #tpu.memory_space<vmem>>
        %dma_start3A_695 = tpu.memref_squeeze %dma_start3A_694 : memref<1x125x32xf32, #tpu.memory_space<vmem>> -> memref<125x32xf32, #tpu.memory_space<vmem>>
        %dma_start3A_696 = arith.constant 0 : i32
        %dma_start3A_697 = tpu.memref_slice %arg7[%sub3A_689, %dma_start3A_696] : memref<80x125xi32, #tpu.memory_space<vmem>> -> memref<1x125xi32, #tpu.memory_space<vmem>>
        %dma_start3A_698 = tpu.memref_squeeze %dma_start3A_697 : memref<1x125xi32, #tpu.memory_space<vmem>> -> memref<125xi32, #tpu.memory_space<vmem>>
        %dma_start3A_699 = arith.constant 0 : i32
        %dma_start3A_700 = arith.constant 0 : i32
        %dma_start3A_701 = tpu.memref_slice %arg2[%dma_start3A_699, %dma_start3A_700] : memref<10000x32xf32, #tpu.memory_space<hbm>> -> memref<10000x32xf32, #tpu.memory_space<hbm>>
        %dma_start3A_702 = tpu.memref_slice %arg16[%dma_start3A_691] : memref<8x!tpu.dma_semaphore, #tpu.memory_space<semaphore_mem>> -> memref<1x!tpu.dma_semaphore, #tpu.memory_space<semaphore_mem>>
        %dma_start3A_703 = tpu.memref_squeeze %dma_start3A_702 : memref<1x!tpu.dma_semaphore, #tpu.memory_space<semaphore_mem>> -> memref<!tpu.dma_semaphore, #tpu.memory_space<semaphore_mem>>
        tpu.enqueue_indirect_dma source(%dma_start3A_701 : memref<10000x32xf32, #tpu.memory_space<hbm>>) target(%dma_start3A_695 : memref<125x32xf32, #tpu.memory_space<vmem>>) offsets(%dma_start3A_698 : memref<125xi32, #tpu.memory_space<vmem>>) semaphore(%dma_start3A_703 : memref<!tpu.dma_semaphore, #tpu.memory_space<semaphore_mem>>)
      } else {
      }
      %mul3A_640 = arith.constant 8 : i32
      %mul3A_641 = arith.muli %scan3A_322, %mul3A_640 : i32
      %add3A_642 = arith.constant 7 : i32
      %add3A_643 = arith.addi %mul3A_641, %add3A_642 : i32
      %dma_wait3A_644 = arith.constant 7 : i32
      %dma_wait3A_645 = arith.constant 7 : i32
      %dma_wait3A_646 = arith.constant 0 : i32
      %dma_wait3A_647 = arith.constant 0 : i32
      %dma_wait3A_648 = tpu.memref_slice %arg9[%dma_wait3A_644, %dma_wait3A_646, %dma_wait3A_647] : memref<8x125x32xf32, #tpu.memory_space<vmem>> -> memref<1x125x32xf32, #tpu.memory_space<vmem>>
      %dma_wait3A_649 = tpu.memref_squeeze %dma_wait3A_648 : memref<1x125x32xf32, #tpu.memory_space<vmem>> -> memref<125x32xf32, #tpu.memory_space<vmem>>
      %dma_wait3A_650 = arith.constant 0 : i32
      %dma_wait3A_651 = tpu.memref_slice %arg7[%add3A_643, %dma_wait3A_650] : memref<80x125xi32, #tpu.memory_space<vmem>> -> memref<1x125xi32, #tpu.memory_space<vmem>>
      %dma_wait3A_652 = tpu.memref_squeeze %dma_wait3A_651 : memref<1x125xi32, #tpu.memory_space<vmem>> -> memref<125xi32, #tpu.memory_space<vmem>>
      %dma_wait3A_653 = arith.constant 0 : i32
      %dma_wait3A_654 = arith.constant 0 : i32
      %dma_wait3A_655 = tpu.memref_slice %arg2[%dma_wait3A_653, %dma_wait3A_654] : memref<10000x32xf32, #tpu.memory_space<hbm>> -> memref<10000x32xf32, #tpu.memory_space<hbm>>
      %dma_wait3A_656 = tpu.memref_slice %arg16[%dma_wait3A_645] : memref<8x!tpu.dma_semaphore, #tpu.memory_space<semaphore_mem>> -> memref<1x!tpu.dma_semaphore, #tpu.memory_space<semaphore_mem>>
      %dma_wait3A_657 = tpu.memref_squeeze %dma_wait3A_656 : memref<1x!tpu.dma_semaphore, #tpu.memory_space<semaphore_mem>> -> memref<!tpu.dma_semaphore, #tpu.memory_space<semaphore_mem>>
      tpu.wait_indirect_dma semaphore(%dma_wait3A_657 : memref<!tpu.dma_semaphore, #tpu.memory_space<semaphore_mem>>) src(%dma_wait3A_655 : memref<10000x32xf32, #tpu.memory_space<hbm>>) dst(%dma_wait3A_649 : memref<125x32xf32, #tpu.memory_space<vmem>>)
      %dma_start3A_658 = arith.constant 7 : i32
      %dma_start3A_659 = arith.constant 7 : i32
      %dma_start3A_660 = arith.constant 0 : i32
      %dma_start3A_661 = arith.constant 0 : i32
      %dma_start3A_662 = tpu.memref_slice %arg9[%dma_start3A_658, %dma_start3A_660, %dma_start3A_661] : memref<8x125x32xf32, #tpu.memory_space<vmem>> -> memref<1x125x32xf32, #tpu.memory_space<vmem>>
      %dma_start3A_663 = tpu.memref_squeeze %dma_start3A_662 : memref<1x125x32xf32, #tpu.memory_space<vmem>> -> memref<125x32xf32, #tpu.memory_space<vmem>>
      %dma_start3A_664 = arith.constant 0 : i32
      %dma_start3A_665 = tpu.memref_slice %arg8[%add3A_643, %dma_start3A_664] : memref<80x125xi32, #tpu.memory_space<vmem>> -> memref<1x125xi32, #tpu.memory_space<vmem>>
      %dma_start3A_666 = tpu.memref_squeeze %dma_start3A_665 : memref<1x125xi32, #tpu.memory_space<vmem>> -> memref<125xi32, #tpu.memory_space<vmem>>
      %dma_start3A_667 = arith.constant 0 : i32
      %dma_start3A_668 = arith.constant 0 : i32
      %dma_start3A_669 = tpu.memref_slice %arg11[%dma_start3A_667, %dma_start3A_668] : memref<10240x32xf32, #tpu.memory_space<vmem_shared>> -> memref<10240x32xf32, #tpu.memory_space<vmem_shared>>
      %dma_start3A_670 = tpu.memref_slice %arg17[%dma_start3A_659] : memref<8x!tpu.dma_semaphore, #tpu.memory_space<semaphore_mem>> -> memref<1x!tpu.dma_semaphore, #tpu.memory_space<semaphore_mem>>
      %dma_start3A_671 = tpu.memref_squeeze %dma_start3A_670 : memref<1x!tpu.dma_semaphore, #tpu.memory_space<semaphore_mem>> -> memref<!tpu.dma_semaphore, #tpu.memory_space<semaphore_mem>>
      tpu.enqueue_indirect_dma source(%dma_start3A_663 : memref<125x32xf32, #tpu.memory_space<vmem>>) target(%dma_start3A_669 : memref<10240x32xf32, #tpu.memory_space<vmem_shared>>) offsets(%dma_start3A_666 : memref<125xi32, #tpu.memory_space<vmem>>) semaphore(%dma_start3A_671 : memref<!tpu.dma_semaphore, #tpu.memory_space<semaphore_mem>>) {add = true}
      %ge3A_672 = arith.constant 1 : i32
      %ge3A_673 = arith.cmpi sge, %add3A_643, %ge3A_672 : i32
      %convert_element_type3A_674 = arith.extui %ge3A_673 : i1 to i32
      %cond3A_675 = arith.constant 0 : i32
      %cond3A_676 = arith.cmpi ne, %convert_element_type3A_674, %cond3A_675 : i32
      scf.if %cond3A_676 {
        %sub3A_686 = arith.constant 1 : i32
        %sub3A_687 = arith.subi %add3A_643, %sub3A_686 : i32
        %dma_wait3A_688 = arith.constant 6 : i32
        %dma_wait3A_689 = arith.constant 6 : i32
        %dma_wait3A_690 = arith.constant 0 : i32
        %dma_wait3A_691 = arith.constant 0 : i32
        %dma_wait3A_692 = tpu.memref_slice %arg9[%dma_wait3A_688, %dma_wait3A_690, %dma_wait3A_691] : memref<8x125x32xf32, #tpu.memory_space<vmem>> -> memref<1x125x32xf32, #tpu.memory_space<vmem>>
        %dma_wait3A_693 = tpu.memref_squeeze %dma_wait3A_692 : memref<1x125x32xf32, #tpu.memory_space<vmem>> -> memref<125x32xf32, #tpu.memory_space<vmem>>
        %dma_wait3A_694 = arith.constant 0 : i32
        %dma_wait3A_695 = tpu.memref_slice %arg8[%sub3A_687, %dma_wait3A_694] : memref<80x125xi32, #tpu.memory_space<vmem>> -> memref<1x125xi32, #tpu.memory_space<vmem>>
        %dma_wait3A_696 = tpu.memref_squeeze %dma_wait3A_695 : memref<1x125xi32, #tpu.memory_space<vmem>> -> memref<125xi32, #tpu.memory_space<vmem>>
        %dma_wait3A_697 = arith.constant 0 : i32
        %dma_wait3A_698 = arith.constant 0 : i32
        %dma_wait3A_699 = tpu.memref_slice %arg11[%dma_wait3A_697, %dma_wait3A_698] : memref<10240x32xf32, #tpu.memory_space<vmem_shared>> -> memref<10240x32xf32, #tpu.memory_space<vmem_shared>>
        %dma_wait3A_700 = tpu.memref_slice %arg17[%dma_wait3A_689] : memref<8x!tpu.dma_semaphore, #tpu.memory_space<semaphore_mem>> -> memref<1x!tpu.dma_semaphore, #tpu.memory_space<semaphore_mem>>
        %dma_wait3A_701 = tpu.memref_squeeze %dma_wait3A_700 : memref<1x!tpu.dma_semaphore, #tpu.memory_space<semaphore_mem>> -> memref<!tpu.dma_semaphore, #tpu.memory_space<semaphore_mem>>
        tpu.wait_indirect_dma semaphore(%dma_wait3A_701 : memref<!tpu.dma_semaphore, #tpu.memory_space<semaphore_mem>>) src(%dma_wait3A_693 : memref<125x32xf32, #tpu.memory_space<vmem>>) dst(%dma_wait3A_699 : memref<10240x32xf32, #tpu.memory_space<vmem_shared>>)
      } else {
      }
      %add3A_677 = arith.constant 8 : i32
      %add3A_678 = arith.addi %add3A_643, %add3A_677 : i32
      %sub3A_679 = arith.constant 1 : i32
      %sub3A_680 = arith.subi %add3A_678, %sub3A_679 : i32
      %lt3A_681 = arith.constant 80 : i32
      %lt3A_682 = arith.cmpi slt, %sub3A_680, %lt3A_681 : i32
      %convert_element_type3A_683 = arith.extui %lt3A_682 : i1 to i32
      %cond3A_684 = arith.constant 0 : i32
      %cond3A_685 = arith.cmpi ne, %convert_element_type3A_683, %cond3A_684 : i32
      scf.if %cond3A_685 {
        %add3A_686 = arith.constant 8 : i32
        %add3A_687 = arith.addi %add3A_643, %add3A_686 : i32
        %sub3A_688 = arith.constant 1 : i32
        %sub3A_689 = arith.subi %add3A_687, %sub3A_688 : i32
        %dma_start3A_690 = arith.constant 6 : i32
        %dma_start3A_691 = arith.constant 6 : i32
        %dma_start3A_692 = arith.constant 0 : i32
        %dma_start3A_693 = arith.constant 0 : i32
        %dma_start3A_694 = tpu.memref_slice %arg9[%dma_start3A_690, %dma_start3A_692, %dma_start3A_693] : memref<8x125x32xf32, #tpu.memory_space<vmem>> -> memref<1x125x32xf32, #tpu.memory_space<vmem>>
        %dma_start3A_695 = tpu.memref_squeeze %dma_start3A_694 : memref<1x125x32xf32, #tpu.memory_space<vmem>> -> memref<125x32xf32, #tpu.memory_space<vmem>>
        %dma_start3A_696 = arith.constant 0 : i32
        %dma_start3A_697 = tpu.memref_slice %arg7[%sub3A_689, %dma_start3A_696] : memref<80x125xi32, #tpu.memory_space<vmem>> -> memref<1x125xi32, #tpu.memory_space<vmem>>
        %dma_start3A_698 = tpu.memref_squeeze %dma_start3A_697 : memref<1x125xi32, #tpu.memory_space<vmem>> -> memref<125xi32, #tpu.memory_space<vmem>>
        %dma_start3A_699 = arith.constant 0 : i32
        %dma_start3A_700 = arith.constant 0 : i32
        %dma_start3A_701 = tpu.memref_slice %arg2[%dma_start3A_699, %dma_start3A_700] : memref<10000x32xf32, #tpu.memory_space<hbm>> -> memref<10000x32xf32, #tpu.memory_space<hbm>>
        %dma_start3A_702 = tpu.memref_slice %arg16[%dma_start3A_691] : memref<8x!tpu.dma_semaphore, #tpu.memory_space<semaphore_mem>> -> memref<1x!tpu.dma_semaphore, #tpu.memory_space<semaphore_mem>>
        %dma_start3A_703 = tpu.memref_squeeze %dma_start3A_702 : memref<1x!tpu.dma_semaphore, #tpu.memory_space<semaphore_mem>> -> memref<!tpu.dma_semaphore, #tpu.memory_space<semaphore_mem>>
        tpu.enqueue_indirect_dma source(%dma_start3A_701 : memref<10000x32xf32, #tpu.memory_space<hbm>>) target(%dma_start3A_695 : memref<125x32xf32, #tpu.memory_space<vmem>>) offsets(%dma_start3A_698 : memref<125xi32, #tpu.memory_space<vmem>>) semaphore(%dma_start3A_703 : memref<!tpu.dma_semaphore, #tpu.memory_space<semaphore_mem>>)
      } else {
      }
    }
    %scan3A_169 = arith.constant 10 : i32
    %dma_wait3A_170 = arith.constant 7 : i32
    %dma_wait3A_171 = arith.constant 79 : i32
    %dma_wait3A_172 = arith.constant 7 : i32
    %dma_wait3A_173 = arith.constant 0 : i32
    %dma_wait3A_174 = arith.constant 0 : i32
    %dma_wait3A_175 = tpu.memref_slice %arg9[%dma_wait3A_170, %dma_wait3A_173, %dma_wait3A_174] : memref<8x125x32xf32, #tpu.memory_space<vmem>> -> memref<1x125x32xf32, #tpu.memory_space<vmem>>
    %dma_wait3A_176 = tpu.memref_squeeze %dma_wait3A_175 : memref<1x125x32xf32, #tpu.memory_space<vmem>> -> memref<125x32xf32, #tpu.memory_space<vmem>>
    %dma_wait3A_177 = arith.constant 0 : i32
    %dma_wait3A_178 = tpu.memref_slice %arg8[%dma_wait3A_171, %dma_wait3A_177] : memref<80x125xi32, #tpu.memory_space<vmem>> -> memref<1x125xi32, #tpu.memory_space<vmem>>
    %dma_wait3A_179 = tpu.memref_squeeze %dma_wait3A_178 : memref<1x125xi32, #tpu.memory_space<vmem>> -> memref<125xi32, #tpu.memory_space<vmem>>
    %dma_wait3A_180 = arith.constant 0 : i32
    %dma_wait3A_181 = arith.constant 0 : i32
    %dma_wait3A_182 = tpu.memref_slice %arg11[%dma_wait3A_180, %dma_wait3A_181] : memref<10240x32xf32, #tpu.memory_space<vmem_shared>> -> memref<10240x32xf32, #tpu.memory_space<vmem_shared>>
    %dma_wait3A_183 = tpu.memref_slice %arg17[%dma_wait3A_172] : memref<8x!tpu.dma_semaphore, #tpu.memory_space<semaphore_mem>> -> memref<1x!tpu.dma_semaphore, #tpu.memory_space<semaphore_mem>>
    %dma_wait3A_184 = tpu.memref_squeeze %dma_wait3A_183 : memref<1x!tpu.dma_semaphore, #tpu.memory_space<semaphore_mem>> -> memref<!tpu.dma_semaphore, #tpu.memory_space<semaphore_mem>>
    tpu.wait_indirect_dma semaphore(%dma_wait3A_184 : memref<!tpu.dma_semaphore, #tpu.memory_space<semaphore_mem>>) src(%dma_wait3A_176 : memref<125x32xf32, #tpu.memory_space<vmem>>) dst(%dma_wait3A_182 : memref<10240x32xf32, #tpu.memory_space<vmem_shared>>)
    %barrier3A_185 = arith.constant 0 : index
    tpu.barrier barrier_id(%barrier3A_185)
    %dma_start3A_186 = arith.constant 0 : i32
    %dma_start3A_187 = arith.constant 0 : i32
    %dma_start3A_188 = arith.constant 0 : i32
    %dma_start3A_189 = tpu.memref_slice %arg13[%dma_start3A_187, %dma_start3A_188] : memref<320x32xf32, #tpu.memory_space<vmem>> -> memref<80x32xf32, #tpu.memory_space<vmem>>
    %dma_start3A_190 = arith.constant 0 : i32
    %dma_start3A_191 = tpu.memref_slice %arg12[%dma_start3A_190] : memref<320xi32, #tpu.memory_space<vmem>> -> memref<80xi32, #tpu.memory_space<vmem>>
    %dma_start3A_192 = arith.constant 0 : i32
    %dma_start3A_193 = arith.constant 0 : i32
    %dma_start3A_194 = tpu.memref_slice %arg11[%dma_start3A_192, %dma_start3A_193] : memref<10240x32xf32, #tpu.memory_space<vmem_shared>> -> memref<10240x32xf32, #tpu.memory_space<vmem_shared>>
    %dma_start3A_195 = tpu.memref_slice %arg16[%dma_start3A_186] : memref<8x!tpu.dma_semaphore, #tpu.memory_space<semaphore_mem>> -> memref<1x!tpu.dma_semaphore, #tpu.memory_space<semaphore_mem>>
    %dma_start3A_196 = tpu.memref_squeeze %dma_start3A_195 : memref<1x!tpu.dma_semaphore, #tpu.memory_space<semaphore_mem>> -> memref<!tpu.dma_semaphore, #tpu.memory_space<semaphore_mem>>
    tpu.enqueue_indirect_dma source(%dma_start3A_194 : memref<10240x32xf32, #tpu.memory_space<vmem_shared>>) target(%dma_start3A_189 : memref<80x32xf32, #tpu.memory_space<vmem>>) offsets(%dma_start3A_191 : memref<80xi32, #tpu.memory_space<vmem>>) semaphore(%dma_start3A_196 : memref<!tpu.dma_semaphore, #tpu.memory_space<semaphore_mem>>)
    %dma_start3A_197 = arith.constant 1 : i32
    %dma_start3A_198 = arith.constant 80 : i32
    %dma_start3A_199 = arith.constant 0 : i32
    %dma_start3A_200 = tpu.memref_slice %arg13[%dma_start3A_198, %dma_start3A_199] : memref<320x32xf32, #tpu.memory_space<vmem>> -> memref<80x32xf32, #tpu.memory_space<vmem>>
    %dma_start3A_201 = arith.constant 80 : i32
    %dma_start3A_202 = tpu.memref_slice %arg12[%dma_start3A_201] : memref<320xi32, #tpu.memory_space<vmem>> -> memref<80xi32, #tpu.memory_space<vmem>>
    %dma_start3A_203 = arith.constant 0 : i32
    %dma_start3A_204 = arith.constant 0 : i32
    %dma_start3A_205 = tpu.memref_slice %arg11[%dma_start3A_203, %dma_start3A_204] : memref<10240x32xf32, #tpu.memory_space<vmem_shared>> -> memref<10240x32xf32, #tpu.memory_space<vmem_shared>>
    %dma_start3A_206 = tpu.memref_slice %arg16[%dma_start3A_197] : memref<8x!tpu.dma_semaphore, #tpu.memory_space<semaphore_mem>> -> memref<1x!tpu.dma_semaphore, #tpu.memory_space<semaphore_mem>>
    %dma_start3A_207 = tpu.memref_squeeze %dma_start3A_206 : memref<1x!tpu.dma_semaphore, #tpu.memory_space<semaphore_mem>> -> memref<!tpu.dma_semaphore, #tpu.memory_space<semaphore_mem>>
    tpu.enqueue_indirect_dma source(%dma_start3A_205 : memref<10240x32xf32, #tpu.memory_space<vmem_shared>>) target(%dma_start3A_200 : memref<80x32xf32, #tpu.memory_space<vmem>>) offsets(%dma_start3A_202 : memref<80xi32, #tpu.memory_space<vmem>>) semaphore(%dma_start3A_207 : memref<!tpu.dma_semaphore, #tpu.memory_space<semaphore_mem>>)
    %dma_start3A_208 = arith.constant 2 : i32
    %dma_start3A_209 = arith.constant 160 : i32
    %dma_start3A_210 = arith.constant 0 : i32
    %dma_start3A_211 = tpu.memref_slice %arg13[%dma_start3A_209, %dma_start3A_210] : memref<320x32xf32, #tpu.memory_space<vmem>> -> memref<80x32xf32, #tpu.memory_space<vmem>>
    %dma_start3A_212 = arith.constant 160 : i32
    %dma_start3A_213 = tpu.memref_slice %arg12[%dma_start3A_212] : memref<320xi32, #tpu.memory_space<vmem>> -> memref<80xi32, #tpu.memory_space<vmem>>
    %dma_start3A_214 = arith.constant 0 : i32
    %dma_start3A_215 = arith.constant 0 : i32
    %dma_start3A_216 = tpu.memref_slice %arg11[%dma_start3A_214, %dma_start3A_215] : memref<10240x32xf32, #tpu.memory_space<vmem_shared>> -> memref<10240x32xf32, #tpu.memory_space<vmem_shared>>
    %dma_start3A_217 = tpu.memref_slice %arg16[%dma_start3A_208] : memref<8x!tpu.dma_semaphore, #tpu.memory_space<semaphore_mem>> -> memref<1x!tpu.dma_semaphore, #tpu.memory_space<semaphore_mem>>
    %dma_start3A_218 = tpu.memref_squeeze %dma_start3A_217 : memref<1x!tpu.dma_semaphore, #tpu.memory_space<semaphore_mem>> -> memref<!tpu.dma_semaphore, #tpu.memory_space<semaphore_mem>>
    tpu.enqueue_indirect_dma source(%dma_start3A_216 : memref<10240x32xf32, #tpu.memory_space<vmem_shared>>) target(%dma_start3A_211 : memref<80x32xf32, #tpu.memory_space<vmem>>) offsets(%dma_start3A_213 : memref<80xi32, #tpu.memory_space<vmem>>) semaphore(%dma_start3A_218 : memref<!tpu.dma_semaphore, #tpu.memory_space<semaphore_mem>>)
    %dma_start3A_219 = arith.constant 3 : i32
    %dma_start3A_220 = arith.constant 240 : i32
    %dma_start3A_221 = arith.constant 0 : i32
    %dma_start3A_222 = tpu.memref_slice %arg13[%dma_start3A_220, %dma_start3A_221] : memref<320x32xf32, #tpu.memory_space<vmem>> -> memref<80x32xf32, #tpu.memory_space<vmem>>
    %dma_start3A_223 = arith.constant 240 : i32
    %dma_start3A_224 = tpu.memref_slice %arg12[%dma_start3A_223] : memref<320xi32, #tpu.memory_space<vmem>> -> memref<80xi32, #tpu.memory_space<vmem>>
    %dma_start3A_225 = arith.constant 0 : i32
    %dma_start3A_226 = arith.constant 0 : i32
    %dma_start3A_227 = tpu.memref_slice %arg11[%dma_start3A_225, %dma_start3A_226] : memref<10240x32xf32, #tpu.memory_space<vmem_shared>> -> memref<10240x32xf32, #tpu.memory_space<vmem_shared>>
    %dma_start3A_228 = tpu.memref_slice %arg16[%dma_start3A_219] : memref<8x!tpu.dma_semaphore, #tpu.memory_space<semaphore_mem>> -> memref<1x!tpu.dma_semaphore, #tpu.memory_space<semaphore_mem>>
    %dma_start3A_229 = tpu.memref_squeeze %dma_start3A_228 : memref<1x!tpu.dma_semaphore, #tpu.memory_space<semaphore_mem>> -> memref<!tpu.dma_semaphore, #tpu.memory_space<semaphore_mem>>
    tpu.enqueue_indirect_dma source(%dma_start3A_227 : memref<10240x32xf32, #tpu.memory_space<vmem_shared>>) target(%dma_start3A_222 : memref<80x32xf32, #tpu.memory_space<vmem>>) offsets(%dma_start3A_224 : memref<80xi32, #tpu.memory_space<vmem>>) semaphore(%dma_start3A_229 : memref<!tpu.dma_semaphore, #tpu.memory_space<semaphore_mem>>)
    %dma_start3A_230 = arith.constant 4 : i32
    %dma_start3A_231 = arith.constant 0 : i32
    %dma_start3A_232 = arith.constant 0 : i32
    %dma_start3A_233 = tpu.memref_slice %arg15[%dma_start3A_231, %dma_start3A_232] : memref<160x32xf32, #tpu.memory_space<vmem>> -> memref<80x32xf32, #tpu.memory_space<vmem>>
    %dma_start3A_234 = arith.constant 0 : i32
    %dma_start3A_235 = tpu.memref_slice %arg14[%dma_start3A_234] : memref<160xi32, #tpu.memory_space<vmem>> -> memref<80xi32, #tpu.memory_space<vmem>>
    %dma_start3A_236 = arith.constant 0 : i32
    %dma_start3A_237 = arith.constant 0 : i32
    %dma_start3A_238 = tpu.memref_slice %arg2[%dma_start3A_236, %dma_start3A_237] : memref<10000x32xf32, #tpu.memory_space<hbm>> -> memref<10000x32xf32, #tpu.memory_space<hbm>>
    %dma_start3A_239 = tpu.memref_slice %arg16[%dma_start3A_230] : memref<8x!tpu.dma_semaphore, #tpu.memory_space<semaphore_mem>> -> memref<1x!tpu.dma_semaphore, #tpu.memory_space<semaphore_mem>>
    %dma_start3A_240 = tpu.memref_squeeze %dma_start3A_239 : memref<1x!tpu.dma_semaphore, #tpu.memory_space<semaphore_mem>> -> memref<!tpu.dma_semaphore, #tpu.memory_space<semaphore_mem>>
    tpu.enqueue_indirect_dma source(%dma_start3A_238 : memref<10000x32xf32, #tpu.memory_space<hbm>>) target(%dma_start3A_233 : memref<80x32xf32, #tpu.memory_space<vmem>>) offsets(%dma_start3A_235 : memref<80xi32, #tpu.memory_space<vmem>>) semaphore(%dma_start3A_240 : memref<!tpu.dma_semaphore, #tpu.memory_space<semaphore_mem>>)
    %dma_start3A_241 = arith.constant 5 : i32
    %dma_start3A_242 = arith.constant 80 : i32
    %dma_start3A_243 = arith.constant 0 : i32
    %dma_start3A_244 = tpu.memref_slice %arg15[%dma_start3A_242, %dma_start3A_243] : memref<160x32xf32, #tpu.memory_space<vmem>> -> memref<80x32xf32, #tpu.memory_space<vmem>>
    %dma_start3A_245 = arith.constant 80 : i32
    %dma_start3A_246 = tpu.memref_slice %arg14[%dma_start3A_245] : memref<160xi32, #tpu.memory_space<vmem>> -> memref<80xi32, #tpu.memory_space<vmem>>
    %dma_start3A_247 = arith.constant 0 : i32
    %dma_start3A_248 = arith.constant 0 : i32
    %dma_start3A_249 = tpu.memref_slice %arg2[%dma_start3A_247, %dma_start3A_248] : memref<10000x32xf32, #tpu.memory_space<hbm>> -> memref<10000x32xf32, #tpu.memory_space<hbm>>
    %dma_start3A_250 = tpu.memref_slice %arg16[%dma_start3A_241] : memref<8x!tpu.dma_semaphore, #tpu.memory_space<semaphore_mem>> -> memref<1x!tpu.dma_semaphore, #tpu.memory_space<semaphore_mem>>
    %dma_start3A_251 = tpu.memref_squeeze %dma_start3A_250 : memref<1x!tpu.dma_semaphore, #tpu.memory_space<semaphore_mem>> -> memref<!tpu.dma_semaphore, #tpu.memory_space<semaphore_mem>>
    tpu.enqueue_indirect_dma source(%dma_start3A_249 : memref<10000x32xf32, #tpu.memory_space<hbm>>) target(%dma_start3A_244 : memref<80x32xf32, #tpu.memory_space<vmem>>) offsets(%dma_start3A_246 : memref<80xi32, #tpu.memory_space<vmem>>) semaphore(%dma_start3A_251 : memref<!tpu.dma_semaphore, #tpu.memory_space<semaphore_mem>>)
    %dma_wait3A_252 = arith.constant 0 : i32
    %dma_wait3A_253 = arith.constant 0 : i32
    %dma_wait3A_254 = arith.constant 0 : i32
    %dma_wait3A_255 = tpu.memref_slice %arg13[%dma_wait3A_253, %dma_wait3A_254] : memref<320x32xf32, #tpu.memory_space<vmem>> -> memref<80x32xf32, #tpu.memory_space<vmem>>
    %dma_wait3A_256 = arith.constant 0 : i32
    %dma_wait3A_257 = tpu.memref_slice %arg12[%dma_wait3A_256] : memref<320xi32, #tpu.memory_space<vmem>> -> memref<80xi32, #tpu.memory_space<vmem>>
    %dma_wait3A_258 = arith.constant 0 : i32
    %dma_wait3A_259 = arith.constant 0 : i32
    %dma_wait3A_260 = tpu.memref_slice %arg11[%dma_wait3A_258, %dma_wait3A_259] : memref<10240x32xf32, #tpu.memory_space<vmem_shared>> -> memref<10240x32xf32, #tpu.memory_space<vmem_shared>>
    %dma_wait3A_261 = tpu.memref_slice %arg16[%dma_wait3A_252] : memref<8x!tpu.dma_semaphore, #tpu.memory_space<semaphore_mem>> -> memref<1x!tpu.dma_semaphore, #tpu.memory_space<semaphore_mem>>
    %dma_wait3A_262 = tpu.memref_squeeze %dma_wait3A_261 : memref<1x!tpu.dma_semaphore, #tpu.memory_space<semaphore_mem>> -> memref<!tpu.dma_semaphore, #tpu.memory_space<semaphore_mem>>
    tpu.wait_indirect_dma semaphore(%dma_wait3A_262 : memref<!tpu.dma_semaphore, #tpu.memory_space<semaphore_mem>>) src(%dma_wait3A_260 : memref<10240x32xf32, #tpu.memory_space<vmem_shared>>) dst(%dma_wait3A_255 : memref<80x32xf32, #tpu.memory_space<vmem>>)
    %dma_wait3A_263 = arith.constant 1 : i32
    %dma_wait3A_264 = arith.constant 80 : i32
    %dma_wait3A_265 = arith.constant 0 : i32
    %dma_wait3A_266 = tpu.memref_slice %arg13[%dma_wait3A_264, %dma_wait3A_265] : memref<320x32xf32, #tpu.memory_space<vmem>> -> memref<80x32xf32, #tpu.memory_space<vmem>>
    %dma_wait3A_267 = arith.constant 80 : i32
    %dma_wait3A_268 = tpu.memref_slice %arg12[%dma_wait3A_267] : memref<320xi32, #tpu.memory_space<vmem>> -> memref<80xi32, #tpu.memory_space<vmem>>
    %dma_wait3A_269 = arith.constant 0 : i32
    %dma_wait3A_270 = arith.constant 0 : i32
    %dma_wait3A_271 = tpu.memref_slice %arg11[%dma_wait3A_269, %dma_wait3A_270] : memref<10240x32xf32, #tpu.memory_space<vmem_shared>> -> memref<10240x32xf32, #tpu.memory_space<vmem_shared>>
    %dma_wait3A_272 = tpu.memref_slice %arg16[%dma_wait3A_263] : memref<8x!tpu.dma_semaphore, #tpu.memory_space<semaphore_mem>> -> memref<1x!tpu.dma_semaphore, #tpu.memory_space<semaphore_mem>>
    %dma_wait3A_273 = tpu.memref_squeeze %dma_wait3A_272 : memref<1x!tpu.dma_semaphore, #tpu.memory_space<semaphore_mem>> -> memref<!tpu.dma_semaphore, #tpu.memory_space<semaphore_mem>>
    tpu.wait_indirect_dma semaphore(%dma_wait3A_273 : memref<!tpu.dma_semaphore, #tpu.memory_space<semaphore_mem>>) src(%dma_wait3A_271 : memref<10240x32xf32, #tpu.memory_space<vmem_shared>>) dst(%dma_wait3A_266 : memref<80x32xf32, #tpu.memory_space<vmem>>)
    %dma_wait3A_274 = arith.constant 2 : i32
    %dma_wait3A_275 = arith.constant 160 : i32
    %dma_wait3A_276 = arith.constant 0 : i32
    %dma_wait3A_277 = tpu.memref_slice %arg13[%dma_wait3A_275, %dma_wait3A_276] : memref<320x32xf32, #tpu.memory_space<vmem>> -> memref<80x32xf32, #tpu.memory_space<vmem>>
    %dma_wait3A_278 = arith.constant 160 : i32
    %dma_wait3A_279 = tpu.memref_slice %arg12[%dma_wait3A_278] : memref<320xi32, #tpu.memory_space<vmem>> -> memref<80xi32, #tpu.memory_space<vmem>>
    %dma_wait3A_280 = arith.constant 0 : i32
    %dma_wait3A_281 = arith.constant 0 : i32
    %dma_wait3A_282 = tpu.memref_slice %arg11[%dma_wait3A_280, %dma_wait3A_281] : memref<10240x32xf32, #tpu.memory_space<vmem_shared>> -> memref<10240x32xf32, #tpu.memory_space<vmem_shared>>
    %dma_wait3A_283 = tpu.memref_slice %arg16[%dma_wait3A_274] : memref<8x!tpu.dma_semaphore, #tpu.memory_space<semaphore_mem>> -> memref<1x!tpu.dma_semaphore, #tpu.memory_space<semaphore_mem>>
    %dma_wait3A_284 = tpu.memref_squeeze %dma_wait3A_283 : memref<1x!tpu.dma_semaphore, #tpu.memory_space<semaphore_mem>> -> memref<!tpu.dma_semaphore, #tpu.memory_space<semaphore_mem>>
    tpu.wait_indirect_dma semaphore(%dma_wait3A_284 : memref<!tpu.dma_semaphore, #tpu.memory_space<semaphore_mem>>) src(%dma_wait3A_282 : memref<10240x32xf32, #tpu.memory_space<vmem_shared>>) dst(%dma_wait3A_277 : memref<80x32xf32, #tpu.memory_space<vmem>>)
    %dma_wait3A_285 = arith.constant 3 : i32
    %dma_wait3A_286 = arith.constant 240 : i32
    %dma_wait3A_287 = arith.constant 0 : i32
    %dma_wait3A_288 = tpu.memref_slice %arg13[%dma_wait3A_286, %dma_wait3A_287] : memref<320x32xf32, #tpu.memory_space<vmem>> -> memref<80x32xf32, #tpu.memory_space<vmem>>
    %dma_wait3A_289 = arith.constant 240 : i32
    %dma_wait3A_290 = tpu.memref_slice %arg12[%dma_wait3A_289] : memref<320xi32, #tpu.memory_space<vmem>> -> memref<80xi32, #tpu.memory_space<vmem>>
    %dma_wait3A_291 = arith.constant 0 : i32
    %dma_wait3A_292 = arith.constant 0 : i32
    %dma_wait3A_293 = tpu.memref_slice %arg11[%dma_wait3A_291, %dma_wait3A_292] : memref<10240x32xf32, #tpu.memory_space<vmem_shared>> -> memref<10240x32xf32, #tpu.memory_space<vmem_shared>>
    %dma_wait3A_294 = tpu.memref_slice %arg16[%dma_wait3A_285] : memref<8x!tpu.dma_semaphore, #tpu.memory_space<semaphore_mem>> -> memref<1x!tpu.dma_semaphore, #tpu.memory_space<semaphore_mem>>
    %dma_wait3A_295 = tpu.memref_squeeze %dma_wait3A_294 : memref<1x!tpu.dma_semaphore, #tpu.memory_space<semaphore_mem>> -> memref<!tpu.dma_semaphore, #tpu.memory_space<semaphore_mem>>
    tpu.wait_indirect_dma semaphore(%dma_wait3A_295 : memref<!tpu.dma_semaphore, #tpu.memory_space<semaphore_mem>>) src(%dma_wait3A_293 : memref<10240x32xf32, #tpu.memory_space<vmem_shared>>) dst(%dma_wait3A_288 : memref<80x32xf32, #tpu.memory_space<vmem>>)
    %dma_wait3A_296 = arith.constant 4 : i32
    %dma_wait3A_297 = arith.constant 0 : i32
    %dma_wait3A_298 = arith.constant 0 : i32
    %dma_wait3A_299 = tpu.memref_slice %arg15[%dma_wait3A_297, %dma_wait3A_298] : memref<160x32xf32, #tpu.memory_space<vmem>> -> memref<80x32xf32, #tpu.memory_space<vmem>>
    %dma_wait3A_300 = arith.constant 0 : i32
    %dma_wait3A_301 = tpu.memref_slice %arg14[%dma_wait3A_300] : memref<160xi32, #tpu.memory_space<vmem>> -> memref<80xi32, #tpu.memory_space<vmem>>
    %dma_wait3A_302 = arith.constant 0 : i32
    %dma_wait3A_303 = arith.constant 0 : i32
    %dma_wait3A_304 = tpu.memref_slice %arg2[%dma_wait3A_302, %dma_wait3A_303] : memref<10000x32xf32, #tpu.memory_space<hbm>> -> memref<10000x32xf32, #tpu.memory_space<hbm>>
    %dma_wait3A_305 = tpu.memref_slice %arg16[%dma_wait3A_296] : memref<8x!tpu.dma_semaphore, #tpu.memory_space<semaphore_mem>> -> memref<1x!tpu.dma_semaphore, #tpu.memory_space<semaphore_mem>>
    %dma_wait3A_306 = tpu.memref_squeeze %dma_wait3A_305 : memref<1x!tpu.dma_semaphore, #tpu.memory_space<semaphore_mem>> -> memref<!tpu.dma_semaphore, #tpu.memory_space<semaphore_mem>>
    tpu.wait_indirect_dma semaphore(%dma_wait3A_306 : memref<!tpu.dma_semaphore, #tpu.memory_space<semaphore_mem>>) src(%dma_wait3A_304 : memref<10000x32xf32, #tpu.memory_space<hbm>>) dst(%dma_wait3A_299 : memref<80x32xf32, #tpu.memory_space<vmem>>)
    %dma_wait3A_307 = arith.constant 5 : i32
    %dma_wait3A_308 = arith.constant 80 : i32
    %dma_wait3A_309 = arith.constant 0 : i32
    %dma_wait3A_310 = tpu.memref_slice %arg15[%dma_wait3A_308, %dma_wait3A_309] : memref<160x32xf32, #tpu.memory_space<vmem>> -> memref<80x32xf32, #tpu.memory_space<vmem>>
    %dma_wait3A_311 = arith.constant 80 : i32
    %dma_wait3A_312 = tpu.memref_slice %arg14[%dma_wait3A_311] : memref<160xi32, #tpu.memory_space<vmem>> -> memref<80xi32, #tpu.memory_space<vmem>>
    %dma_wait3A_313 = arith.constant 0 : i32
    %dma_wait3A_314 = arith.constant 0 : i32
    %dma_wait3A_315 = tpu.memref_slice %arg2[%dma_wait3A_313, %dma_wait3A_314] : memref<10000x32xf32, #tpu.memory_space<hbm>> -> memref<10000x32xf32, #tpu.memory_space<hbm>>
    %dma_wait3A_316 = tpu.memref_slice %arg16[%dma_wait3A_307] : memref<8x!tpu.dma_semaphore, #tpu.memory_space<semaphore_mem>> -> memref<1x!tpu.dma_semaphore, #tpu.memory_space<semaphore_mem>>
    %dma_wait3A_317 = tpu.memref_squeeze %dma_wait3A_316 : memref<1x!tpu.dma_semaphore, #tpu.memory_space<semaphore_mem>> -> memref<!tpu.dma_semaphore, #tpu.memory_space<semaphore_mem>>
    tpu.wait_indirect_dma semaphore(%dma_wait3A_317 : memref<!tpu.dma_semaphore, #tpu.memory_space<semaphore_mem>>) src(%dma_wait3A_315 : memref<10000x32xf32, #tpu.memory_space<hbm>>) dst(%dma_wait3A_310 : memref<80x32xf32, #tpu.memory_space<vmem>>)
    %mul3A_318 = arith.constant 320 : i32
    %mul3A_319 = arith.muli %arg1, %mul3A_318 : i32
    "tpu.region"() ({
      %run_scoped3A = tpu.sem_alloc : memref<!tpu.dma_semaphore, #tpu.memory_space<semaphore_mem>>
      %dma_start3A_322 = arith.constant 0 : i32
      %dma_start3A_323 = tpu.memref_slice %arg5[%arg0, %mul3A_319, %dma_start3A_322] : memref<2x5120x32xf32, #tpu.memory_space<hbm>> -> memref<1x320x32xf32, #tpu.memory_space<hbm>>
      %dma_start3A_324 = tpu.memref_squeeze %dma_start3A_323 : memref<1x320x32xf32, #tpu.memory_space<hbm>> -> memref<320x32xf32, #tpu.memory_space<hbm>>
      %dma_start3A_325 = arith.constant 0 : i32
      %dma_start3A_326 = tpu.memref_slice %arg5[%arg0, %mul3A_319, %dma_start3A_325] : memref<2x5120x32xf32, #tpu.memory_space<hbm>> -> memref<1x320x32xf32, #tpu.memory_space<hbm>>
      %dma_start3A_327 = tpu.memref_squeeze %dma_start3A_326 : memref<1x320x32xf32, #tpu.memory_space<hbm>> -> memref<320x32xf32, #tpu.memory_space<hbm>>
      tpu.enqueue_dma source(%arg13 : memref<320x32xf32, #tpu.memory_space<vmem>>) target(%dma_start3A_327 : memref<320x32xf32, #tpu.memory_space<hbm>>) target_semaphore(%run_scoped3A : memref<!tpu.dma_semaphore, #tpu.memory_space<semaphore_mem>>)
      %dma_wait3A_328 = arith.constant 0 : i32
      %dma_wait3A_329 = tpu.memref_slice %arg5[%arg0, %mul3A_319, %dma_wait3A_328] : memref<2x5120x32xf32, #tpu.memory_space<hbm>> -> memref<1x320x32xf32, #tpu.memory_space<hbm>>
      %dma_wait3A_330 = tpu.memref_squeeze %dma_wait3A_329 : memref<1x320x32xf32, #tpu.memory_space<hbm>> -> memref<320x32xf32, #tpu.memory_space<hbm>>
      %dma_wait3A_331 = arith.constant 0 : i32
      %dma_wait3A_332 = tpu.memref_slice %arg5[%arg0, %mul3A_319, %dma_wait3A_331] : memref<2x5120x32xf32, #tpu.memory_space<hbm>> -> memref<1x320x32xf32, #tpu.memory_space<hbm>>
      %dma_wait3A_333 = tpu.memref_squeeze %dma_wait3A_332 : memref<1x320x32xf32, #tpu.memory_space<hbm>> -> memref<320x32xf32, #tpu.memory_space<hbm>>
      tpu.wait_dma2 semaphore(%run_scoped3A : memref<!tpu.dma_semaphore, #tpu.memory_space<semaphore_mem>>) src(%arg13 : memref<320x32xf32, #tpu.memory_space<vmem>>) dst(%dma_wait3A_333 : memref<320x32xf32, #tpu.memory_space<hbm>>)
      tpu.yield
    }) : () -> ()
    %mul3A_320 = arith.constant 160 : i32
    %mul3A_321 = arith.muli %add3A, %mul3A_320 : i32
    "tpu.region"() ({
      %run_scoped3A = tpu.sem_alloc : memref<!tpu.dma_semaphore, #tpu.memory_space<semaphore_mem>>
      %dma_start3A_322 = arith.constant 0 : i32
      %dma_start3A_323 = tpu.memref_slice %arg6[%mul3A_321, %dma_start3A_322] : memref<5120x32xf32, #tpu.memory_space<hbm>> -> memref<160x32xf32, #tpu.memory_space<hbm>>
      %dma_start3A_324 = arith.constant 0 : i32
      %dma_start3A_325 = tpu.memref_slice %arg6[%mul3A_321, %dma_start3A_324] : memref<5120x32xf32, #tpu.memory_space<hbm>> -> memref<160x32xf32, #tpu.memory_space<hbm>>
      tpu.enqueue_dma source(%arg15 : memref<160x32xf32, #tpu.memory_space<vmem>>) target(%dma_start3A_325 : memref<160x32xf32, #tpu.memory_space<hbm>>) target_semaphore(%run_scoped3A : memref<!tpu.dma_semaphore, #tpu.memory_space<semaphore_mem>>)
      %dma_wait3A_326 = arith.constant 0 : i32
      %dma_wait3A_327 = tpu.memref_slice %arg6[%mul3A_321, %dma_wait3A_326] : memref<5120x32xf32, #tpu.memory_space<hbm>> -> memref<160x32xf32, #tpu.memory_space<hbm>>
      %dma_wait3A_328 = arith.constant 0 : i32
      %dma_wait3A_329 = tpu.memref_slice %arg6[%mul3A_321, %dma_wait3A_328] : memref<5120x32xf32, #tpu.memory_space<hbm>> -> memref<160x32xf32, #tpu.memory_space<hbm>>
      tpu.wait_dma2 semaphore(%run_scoped3A : memref<!tpu.dma_semaphore, #tpu.memory_space<semaphore_mem>>) src(%arg15 : memref<160x32xf32, #tpu.memory_space<vmem>>) dst(%dma_wait3A_329 : memref<160x32xf32, #tpu.memory_space<hbm>>)
      tpu.yield
    }) : () -> ()
    return
  }
}

module attributes {stable_mosaic.version = 14 : i64} {
  func.func @_enc_body(%arg0: i32, %arg1: memref<5000x128xf32, #tpu.memory_space<vmem>>, %arg2: memref<128x32xf32, #tpu.memory_space<vmem>>, %arg3: memref<1x32xf32, #tpu.memory_space<vmem>>, %arg4: memref<5000x32xf32, #tpu.memory_space<vmem>>) attributes {dimension_semantics = [#tpu.dimension_semantics<arbitrary>], iteration_bounds = array<i64: 2>, scalar_prefetch = 0 : i64, scratch_operands = 0 : i64, tpu.core_type = #tpu.core_type<tc>, window_params = [{transform_indices = @transform_0, window_bounds = array<i64: 5000, 128>}, {pipeline_mode = #tpu.pipeline_mode<synchronous>, transform_indices = @transform_1, window_bounds = array<i64: 128, 32>}, {pipeline_mode = #tpu.pipeline_mode<synchronous>, transform_indices = @transform_2, window_bounds = array<i64: 1, 32>}, {transform_indices = @transform_3, window_bounds = array<i64: 5000, 32>}]} {
    %get3A = arith.constant 0 : index
    %get3A_0 = arith.constant 0 : index
    %get3A_1 = vector.load %arg1[%get3A, %get3A_0] : memref<5000x128xf32, #tpu.memory_space<vmem>>, vector<5000x128xf32>
    %get3A_2 = arith.constant 0 : index
    %get3A_3 = arith.constant 0 : index
    %get3A_4 = vector.load %arg2[%get3A_2, %get3A_3] : memref<128x32xf32, #tpu.memory_space<vmem>>, vector<128x32xf32>
    %dot_general3A = arith.constant dense<0.000000e+00> : vector<5000x32xf32>
    %dot_general3A_5 = tpu.matmul %get3A_1, %get3A_4, %dot_general3A {dimension_numbers = #tpu.dot_dimension_numbers<[1], [0], [0], [1], [0, 0, 1, 1], [], []>, transpose_lhs_hint = false} : vector<5000x128xf32>, vector<128x32xf32>, vector<5000x32xf32> -> vector<5000x32xf32>
    %get3A_6 = arith.constant 0 : index
    %get3A_7 = arith.constant 0 : index
    %get3A_8 = vector.load %arg3[%get3A_6, %get3A_7] : memref<1x32xf32, #tpu.memory_space<vmem>>, vector<1x32xf32>
    %add3A = vector.broadcast %get3A_8 : vector<1x32xf32> to vector<5000x32xf32>
    %add3A_9 = arith.addf %dot_general3A_5, %add3A : vector<5000x32xf32>
    %max3A = arith.constant 0.000000e+00 : f32
    %max3A_10 = vector.broadcast %max3A : f32 to vector<5000x32xf32>
    %max3A_11 = arith.maximumf %add3A_9, %max3A_10 : vector<5000x32xf32>
    %swap3A = arith.constant 0 : index
    %swap3A_12 = arith.constant 0 : index
    %swap3A_13 = vector.load %arg4[%swap3A, %swap3A_12] : memref<5000x32xf32, #tpu.memory_space<vmem>>, vector<5000x32xf32>
    tpu.vector_store %arg4[%swap3A, %swap3A_12], %max3A_11 {strides = array<i32>} : memref<5000x32xf32, #tpu.memory_space<vmem>>, vector<5000x32xf32>,
    return
  }
  func.func @transform_0(%arg0: i32) -> (i32, i32) {
    %c0_i32 = arith.constant 0 : i32
    %c0_i32_0 = arith.constant 0 : i32
    return %arg0, %c0_i32 : i32, i32
  }
  func.func @transform_1(%arg0: i32) -> (i32, i32) {
    %c0_i32 = arith.constant 0 : i32
    %c0_i32_0 = arith.constant 0 : i32
    %c0_i32_1 = arith.constant 0 : i32
    return %c0_i32, %c0_i32_0 : i32, i32
  }
  func.func @transform_2(%arg0: i32) -> (i32, i32) {
    %c0_i32 = arith.constant 0 : i32
    %c0_i32_0 = arith.constant 0 : i32
    %c0_i32_1 = arith.constant 0 : i32
    return %c0_i32, %c0_i32_0 : i32, i32
  }
  func.func @transform_3(%arg0: i32) -> (i32, i32) {
    %c0_i32 = arith.constant 0 : i32
    %c0_i32_0 = arith.constant 0 : i32
    return %arg0, %c0_i32 : i32, i32
  }
}

module attributes {stable_mosaic.version = 14 : i64} {
  func.func @_head_body(%arg0: i32, %arg1: memref<5120x32xf32, #tpu.memory_space<vmem>>, %arg2: memref<2x5120x32xf32, #tpu.memory_space<vmem>>, %arg3: memref<32x32xf32, #tpu.memory_space<vmem>>, %arg4: memref<1x32xf32, #tpu.memory_space<vmem>>, %arg5: memref<32x1xf32, #tpu.memory_space<vmem>>, %arg6: memref<1x1xf32, #tpu.memory_space<vmem>>, %arg7: memref<5120x1xf32, #tpu.memory_space<vmem>>) attributes {dimension_semantics = [#tpu.dimension_semantics<arbitrary>], iteration_bounds = array<i64: 1>, scalar_prefetch = 0 : i64, scratch_operands = 0 : i64, tpu.core_type = #tpu.core_type<tc>, window_params = [{pipeline_mode = #tpu.pipeline_mode<synchronous>, transform_indices = @transform_0, window_bounds = array<i64: 5120, 32>}, {pipeline_mode = #tpu.pipeline_mode<synchronous>, transform_indices = @transform_1, window_bounds = array<i64: 2, 5120, 32>}, {pipeline_mode = #tpu.pipeline_mode<synchronous>, transform_indices = @transform_2, window_bounds = array<i64: 32, 32>}, {pipeline_mode = #tpu.pipeline_mode<synchronous>, transform_indices = @transform_3, window_bounds = array<i64: 1, 32>}, {pipeline_mode = #tpu.pipeline_mode<synchronous>, transform_indices = @transform_4, window_bounds = array<i64: 32, 1>}, {pipeline_mode = #tpu.pipeline_mode<synchronous>, transform_indices = @transform_5, window_bounds = array<i64: 1, 1>}, {pipeline_mode = #tpu.pipeline_mode<synchronous>, transform_indices = @transform_6, window_bounds = array<i64: 5120, 1>}]} {
    %get3A = arith.constant 0 : index
    %get3A_0 = arith.constant 0 : index
    %get3A_1 = vector.load %arg1[%get3A, %get3A_0] : memref<5120x32xf32, #tpu.memory_space<vmem>>, vector<5120x32xf32>
    %get3A_2 = arith.constant 0 : index
    %get3A_3 = arith.constant 0 : index
    %get3A_4 = arith.constant 0 : index
    %get3A_5 = vector.load %arg2[%get3A_2, %get3A_3, %get3A_4] : memref<2x5120x32xf32, #tpu.memory_space<vmem>>, vector<1x5120x32xf32>
    %get3A_6 = vector.shape_cast %get3A_5 : vector<1x5120x32xf32> to vector<5120x32xf32>
    %add3A = arith.addf %get3A_1, %get3A_6 : vector<5120x32xf32>
    %get3A_7 = arith.constant 1 : index
    %get3A_8 = arith.constant 0 : index
    %get3A_9 = arith.constant 0 : index
    %get3A_10 = vector.load %arg2[%get3A_7, %get3A_8, %get3A_9] : memref<2x5120x32xf32, #tpu.memory_space<vmem>>, vector<1x5120x32xf32>
    %get3A_11 = vector.shape_cast %get3A_10 : vector<1x5120x32xf32> to vector<5120x32xf32>
    %add3A_12 = arith.addf %add3A, %get3A_11 : vector<5120x32xf32>
    %get3A_13 = arith.constant 0 : index
    %get3A_14 = arith.constant 0 : index
    %get3A_15 = vector.load %arg3[%get3A_13, %get3A_14] : memref<32x32xf32, #tpu.memory_space<vmem>>, vector<32x32xf32>
    %dot_general3A = arith.constant dense<0.000000e+00> : vector<5120x32xf32>
    %dot_general3A_16 = tpu.matmul %add3A_12, %get3A_15, %dot_general3A {dimension_numbers = #tpu.dot_dimension_numbers<[1], [0], [0], [1], [0, 0, 1, 1], [], []>, transpose_lhs_hint = false} : vector<5120x32xf32>, vector<32x32xf32>, vector<5120x32xf32> -> vector<5120x32xf32>
    %get3A_17 = arith.constant 0 : index
    %get3A_18 = arith.constant 0 : index
    %get3A_19 = vector.load %arg4[%get3A_17, %get3A_18] : memref<1x32xf32, #tpu.memory_space<vmem>>, vector<1x32xf32>
    %add3A_20 = vector.broadcast %get3A_19 : vector<1x32xf32> to vector<5120x32xf32>
    %add3A_21 = arith.addf %dot_general3A_16, %add3A_20 : vector<5120x32xf32>
    %max3A = arith.constant 0.000000e+00 : f32
    %max3A_22 = vector.broadcast %max3A : f32 to vector<5120x32xf32>
    %max3A_23 = arith.maximumf %add3A_21, %max3A_22 : vector<5120x32xf32>
    %get3A_24 = arith.constant 0 : index
    %get3A_25 = arith.constant 0 : index
    %get3A_26 = vector.load %arg5[%get3A_24, %get3A_25] : memref<32x1xf32, #tpu.memory_space<vmem>>, vector<32x1xf32>
    %dot_general3A_27 = arith.constant dense<0.000000e+00> : vector<5120x1xf32>
    %dot_general3A_28 = tpu.matmul %max3A_23, %get3A_26, %dot_general3A_27 {dimension_numbers = #tpu.dot_dimension_numbers<[1], [0], [0], [1], [0, 0, 1, 1], [], []>, transpose_lhs_hint = false} : vector<5120x32xf32>, vector<32x1xf32>, vector<5120x1xf32> -> vector<5120x1xf32>
    %get3A_29 = arith.constant 0 : index
    %get3A_30 = arith.constant 0 : index
    %get3A_31 = vector.load %arg6[%get3A_29, %get3A_30] : memref<1x1xf32, #tpu.memory_space<vmem>>, vector<1x1xf32>
    %add3A_32 = vector.broadcast %get3A_31 : vector<1x1xf32> to vector<5120x1xf32>
    %add3A_33 = arith.addf %dot_general3A_28, %add3A_32 : vector<5120x1xf32>
    %logistic3A = arith.negf %add3A_33 : vector<5120x1xf32>
    %logistic3A_34 = math.exp %logistic3A : vector<5120x1xf32>
    %logistic3A_35 = arith.constant 1.000000e+00 : f32
    %logistic3A_36 = vector.broadcast %logistic3A_35 : f32 to vector<5120x1xf32>
    %logistic3A_37 = arith.addf %logistic3A_36, %logistic3A_34 : vector<5120x1xf32>
    %logistic3A_38 = arith.divf %logistic3A_36, %logistic3A_37 : vector<5120x1xf32>
    %swap3A = arith.constant 0 : index
    %swap3A_39 = arith.constant 0 : index
    %swap3A_40 = vector.load %arg7[%swap3A, %swap3A_39] : memref<5120x1xf32, #tpu.memory_space<vmem>>, vector<5120x1xf32>
    tpu.vector_store %arg7[%swap3A, %swap3A_39], %logistic3A_38 {strides = array<i32>} : memref<5120x1xf32, #tpu.memory_space<vmem>>, vector<5120x1xf32>,
    return
  }
  func.func @transform_0(%arg0: i32) -> (i32, i32) {
    %c0_i32 = arith.constant 0 : i32
    %c0_i32_0 = arith.constant 0 : i32
    %c0_i32_1 = arith.constant 0 : i32
    return %c0_i32, %c0_i32_0 : i32, i32
  }
  func.func @transform_1(%arg0: i32) -> (i32, i32, i32) {
    %c0_i32 = arith.constant 0 : i32
    %c0_i32_0 = arith.constant 0 : i32
    %c0_i32_1 = arith.constant 0 : i32
    %c0_i32_2 = arith.constant 0 : i32
    return %c0_i32, %c0_i32_0, %c0_i32_1 : i32, i32, i32
  }
  func.func @transform_2(%arg0: i32) -> (i32, i32) {
    %c0_i32 = arith.constant 0 : i32
    %c0_i32_0 = arith.constant 0 : i32
    %c0_i32_1 = arith.constant 0 : i32
    return %c0_i32, %c0_i32_0 : i32, i32
  }
  func.func @transform_3(%arg0: i32) -> (i32, i32) {
    %c0_i32 = arith.constant 0 : i32
    %c0_i32_0 = arith.constant 0 : i32
    %c0_i32_1 = arith.constant 0 : i32
    return %c0_i32, %c0_i32_0 : i32, i32
  }
  func.func @transform_4(%arg0: i32) -> (i32, i32) {
    %c0_i32 = arith.constant 0 : i32
    %c0_i32_0 = arith.constant 0 : i32
    %c0_i32_1 = arith.constant 0 : i32
    return %c0_i32, %c0_i32_0 : i32, i32
  }
  func.func @transform_5(%arg0: i32) -> (i32, i32) {
    %c0_i32 = arith.constant 0 : i32
    %c0_i32_0 = arith.constant 0 : i32
    %c0_i32_1 = arith.constant 0 : i32
    return %c0_i32, %c0_i32_0 : i32, i32
  }
  func.func @transform_6(%arg0: i32) -> (i32, i32) {
    %c0_i32 = arith.constant 0 : i32
    %c0_i32_0 = arith.constant 0 : i32
    %c0_i32_1 = arith.constant 0 : i32
    return %c0_i32, %c0_i32_0 : i32, i32
  }
}

</mosaic_0001>

<sc_bundles>
// kernel: kernel.5.cloned.1.call-start
scs
__scs_entry_jumppad:
0x0: {  	(pc) =	sbr.rel $0x88, $3  }
0x1: {  	(tag) =	ssettag $0x0;
	lr =	simm.s32 $0x1  }
0x2: {  	[smem:$0x3F98] =	sst lr;
	_ =	strace $0xD0000000  }
0x3: {  	_ = 	snop  }
0x4: {  	_ = 	snop  }
0x5: {  	_ = 	snop  }
0x6: {  	_ = 	snop  }
0x7: {  	_ = 	snop  }
__scs_overlays_trampoline_lowered:
0x8: {  	[smem:$0x3FA7] =	sst s0  }
0x9: {  	[smem:$0x3FA8] =	sst s1  }
0xa: {  	[smem:$0x3FA9] =	sst s2  }
0xb: {  	[smem:$0x3FAA] =	sst s3  }
0xc: {  	[smem:$0x3FAB] =	sst s4  }
0xd: {  	[smem:$0x3FAC] =	sst s5  }
0xe: {  	[smem:$0x3FAD] =	sst s6  }
0xf: {  	[smem:$0x3FAE] =	sst s7  }
0x10: {  	[smem:$0x3FAF] =	sst s8  }
0x11: {  	[smem:$0x3FB0] =	sst s9;
	s0 =	simm.s32 @!p0 $0x0  }
0x12: {  	s1 =	sld [smem:$0x3F96];
	s0 =	simm.s32 @p0 $0x1  }
0x13: {  	[smem:$0x3FB1] =	sst s0;
	s0 =	simm.s32 @!p1 $0x0  }
0x14: {  	s2 =	sld [smem:$0x3F95];
	s0 =	simm.s32 @p1 $0x1  }
0x15: {  	[smem:$0x3FB2] =	sst s0;
	s0 =	simm.s32 @!p2 $0x0  }
0x16: {  	s3 =	sld [smem:$0x3FDB];
	s0 =	simm.s32 @p2 $0x1  }
0x17: {  	s4 =	simm.s32 $0x1BF5;
	[smem:$0x3FB4] =	sst s0  }
0x18: {  	s0 =	sld [smem:$0x3F97];
	_ =	swait.ge [sflag:s4], $0x0  }
0x19: {  	s7 =	sld [smem:$0x3F98]  }
0x1a: {  	s8 =	sadd.s32 $0xFFFFE003, lr  }
0x1b: {  	s9 =	sadd.s32 $0xFFFFFEF7, lr;
	s5 =	simm.s32 $0xFFFFFFFF;
	p2 =	slt.u32 s8, $0xFFFFF086  }
0x1c: {  	p1 =	slt.u32 s9, $0xF7A;
	s5 =	simm.s32 @!p2 $0x0  }
0x1d: {  	s5 =	simm.s32 @p1 $0x1;
	p0 =	seq.s32 s7, s2  }
0x1e: {  	s7 =	smul.u32 @!p0 $0xF7A, s2;
	p2 =	seq.s32 @!p0 s5, $0x0  }
0x1f: {  	s9 =	smul.u32 $0xF7A, s1;
	s8 =	simm.s32 @!p0 $0x1BF5;
	p2 =	por !p2, p0  }
0x20: {  	[sflag:s8] =	ssyncset.s32 @!p0 $0xFFFFF086;
	s6 =	sadd.s32 @!p0 s3, s7;
	s7 =	simm.s32 @!p0 $0x108  }
0x21: {  	s3 =	sadd.s32 s3, s9;
	s6 =	sadd.s32 @!p0 $0x88, s6;
	s7 =	simm.s32 @p2 $0x1082  }
0x22: {  	[simem:s7], [sflag:s8] =	dma.local @!p0 [hbm:s6], $0xF7A  }
0x23: {  	s9 =	sor.u32 $0xD0000000, s2;
	s6 =	simm.s32 $0x108;
	_ =	swait.ge @!p0 [sflag:s8], $0x0  }
0x24: {  	s3 =	sadd.s32 $0x88, s3;
	s6 =	simm.s32 @!p1 $0x1082;
	[sflag:s4] =	ssyncset.s32 $0xFFFFF086  }
0x25: {  	[simem:s6], [sflag:s4] =	dma.local [hbm:s3], $0xF7A  }
0x26: {  	[smem:$0x3F98] =	sst s1;
	(tag) =	ssettag s2;
	_ =	strace s9  }
0x27: {  	s1 =	sld [smem:$0x3FA8]  }
0x28: {  	s2 =	sld [smem:$0x3FA9]  }
0x29: {  	s4 =	sld [smem:$0x3FAB]  }
0x2a: {  	p0 =	seq.s32 s5, $0x0;
	s5 =	sld [smem:$0x3FAC]  }
0x2b: {  	s6 =	sld [smem:$0x3FAD]  }
0x2c: {  	s7 =	sld [smem:$0x3FAE]  }
0x2d: {  	s3 =	simm.s32 $0x108;
	s8 =	sld [smem:$0x3FAF]  }
0x2e: {  	s3 =	simm.s32 @!p0 $0x1082;
	s9 =	sld [smem:$0x3FB0]  }
0x2f: {  	lr =	sadd.s32 s0, s3;
	s0 =	sld [smem:$0x3FA7]  }
0x30: {  	s3 =	sld [smem:$0x3FAA]  }
0x31: {  	[smem:$0x3FB3] =	sst s10  }
0x32: {  	s10 =	sld [smem:$0x3FB1];
	_ =	sdelay $0x3  }
0x33: {  	p0 =	seq.s32 s10, $0x1;
	s10 =	sld [smem:$0x3FB3];
	_ =	sdelay $0x3  }
0x34: {  	[smem:$0x3FB3] =	sst s10  }
0x35: {  	s10 =	sld [smem:$0x3FB2];
	_ =	sdelay $0x3  }
0x36: {  	p1 =	seq.s32 s10, $0x1;
	s10 =	sld [smem:$0x3FB3];
	_ =	sdelay $0x3  }
0x37: {  	[smem:$0x3FB3] =	sst s10  }
0x38: {  	s10 =	sld [smem:$0x3FB4]  }
0x39: {  	_ = 	snop;
	(pc) =	sbr.ind lr, $3  }
0x3a: {  	_ = 	snop  }
0x3b: {  	_ = 	snop  }
0x3c: {  	p2 =	seq.s32 s10, $0x1;
	s10 =	sld [smem:$0x3FB3]  }
0x3d: {  	_ =	shalt  }
0x3e: {  	_ =	shalt  }
0x3f: {  	_ =	shalt  }
0x40: {  	_ =	shalt  }
0x41: {  	_ =	shalt  }
0x42: {  	_ =	shalt  }
0x43: {  	_ =	shalt  }
0x44: {  	_ =	shalt  }
0x45: {  	_ =	shalt  }
0x46: {  	_ =	shalt  }
0x47: {  	_ =	shalt  }
0x48: {  	_ =	shalt  }
0x49: {  	_ =	shalt  }
0x4a: {  	_ =	shalt  }
0x4b: {  	_ =	shalt  }
0x4c: {  	_ =	shalt  }
0x4d: {  	_ =	shalt  }
0x4e: {  	_ =	shalt  }
0x4f: {  	_ =	shalt  }
0x50: {  	_ =	shalt  }
0x51: {  	_ =	shalt  }
0x52: {  	_ =	shalt  }
0x53: {  	_ =	shalt  }
0x54: {  	_ =	shalt  }
0x55: {  	_ =	shalt  }
0x56: {  	_ =	shalt  }
0x57: {  	_ =	shalt  }
0x58: {  	_ =	shalt  }
0x59: {  	_ =	shalt  }
0x5a: {  	_ =	shalt  }
0x5b: {  	_ =	shalt  }
0x5c: {  	_ =	shalt  }
0x5d: {  	_ =	shalt  }
0x5e: {  	_ =	shalt  }
0x5f: {  	_ =	shalt  }
0x60: {  	_ =	shalt  }
0x61: {  	_ =	shalt  }
0x62: {  	_ =	shalt  }
0x63: {  	_ =	shalt  }
0x64: {  	_ =	shalt  }
0x65: {  	_ =	shalt  }
0x66: {  	_ =	shalt  }
0x67: {  	_ =	shalt  }
0x68: {  	_ =	shalt  }
0x69: {  	_ =	shalt  }
0x6a: {  	_ =	shalt  }
0x6b: {  	_ =	shalt  }
0x6c: {  	_ =	shalt  }
0x6d: {  	_ =	shalt  }
0x6e: {  	_ =	shalt  }
0x6f: {  	_ =	shalt  }
0x70: {  	_ =	shalt  }
0x71: {  	_ =	shalt  }
0x72: {  	_ =	shalt  }
0x73: {  	_ =	shalt  }
0x74: {  	_ =	shalt  }
0x75: {  	_ =	shalt  }
0x76: {  	_ =	shalt  }
0x77: {  	_ =	shalt  }
0x78: {  	_ =	shalt  }
0x79: {  	_ =	shalt  }
0x7a: {  	_ =	shalt  }
0x7b: {  	_ =	shalt  }
0x7c: {  	_ =	shalt  }
0x7d: {  	_ =	shalt  }
0x7e: {  	_ =	shalt  }
0x7f: {  	_ =	shalt  }
0x80: {  	_ =	shalt  }
0x81: {  	_ =	shalt  }
0x82: {  	_ =	shalt  }
0x83: {  	_ =	shalt  }
0x84: {  	_ =	shalt  }
0x85: {  	_ =	shalt  }
0x86: {  	_ =	shalt  }
0x87: {  	_ =	shalt  }
.Lfunc_end0:
.L_simem_size_0:
called_computation_lowered:
.L_overlay_start_0:
0x88: {  	s2 =	sld [smem:$0x3FD9]  }
0x89: {  	s3 =	sld [smem:$0x3FFE];
	_ =	sdelay $0x1  }
0x8a: {  	s1 =	srdreg.scid  }
0x8b: {  	s0 =	sand.u32 $0x1, s1  }
0x8c: {  	s17 =	sshll.u32 s0, $0xA;
	s2 =	sadd.s32 s3, s2  }
0x8d: {  	s2 =	sadd.s32 s2, s17  }
0x8e: {  	[smem:$0x3FBF] =	sst s2  }
0x8f: {  	_ = 	snop  }
0x90: {  	s2 =	sld [smem:$0x3FD0];
	(tm) =	ssettm $0x1  }
0x91: {  	s18 =	sld [smem:$0x3FFB];
	_ =	sdelay $0x3  }
0x92: {  	_ =	strace s18  }
0x93: {  	s3 =	sld [smem:$0x3FFC];
	_ =	sdelay $0x3  }
0x94: {  	_ =	strace s3  }
0x95: {  	s3 =	sld [smem:$0x3FFD];
	_ =	sdelay $0x3  }
0x96: {  	_ =	strace s3  }
0x97: {  	_ =	strace $0x8FFFFFFF  }
0x98: {  	s19 =	sld [smem:$0x3FDB];
	_ =	sdelay $0x1  }
0x99: {  	s4 =	simm.s32 $_scs_section_size  }
0x9a: {  	s5 =	simm.s32 $_size__tile_overlayer_lowered;
	s6 =	simm.s32 $_tile_overlayer_lowered  }
0x9b: {  	s22 =	simm.s32 $0x1BFF;
	s21 =	sshll.u32 s6, $0x1;
	s3 =	sadd.s32 s4, s19  }
0x9c: {  	s7 =	simm.s32 $0x0;
	s20 =	sshll.u32 s5, $0x1;
	s5 =	sadd.s32 s21, s3  }
0x9d: {  	[timem:s7], [sflag:s22] =	dma.local [hbm:s5], s20  }
0x9e: {  	_ =	swait.ge [sflag:s22], s20  }
0x9f: {  	s4 =	ssub.s32 $0x0, s20;
	[sflag:s22] =	ssyncset.done $0x0  }
0xa0: {  	[sflag:s22] =	ssyncadd.s32 s4;
	_ =	sdelay $0x1  }
0xa1: {  	s23 =	simm.s32 $0x1B8B  }
0xa2: {  	_ =	swait.ge [sflag:s23], $0x1  }
0xa3: {  	[sflag:s23] =	ssyncset.done $0x0  }
0xa4: {  	s25 =	simm.s32 $0x1B8E;
	s24 =	sld [smem:$0x3FFE];
	[sflag:s23] =	ssyncadd.s32 $0xFFFFFFFF  }
0xa5: {  	s26 =	simm.s32 $execute0_lowered;
	[smem:$0x3FD2] =	sst s25  }
0xa6: {  	s5 =	sshll.u32 s26, $0x1;
	_ =	strace $0x80000046;
	[dreg:$0x1] =	wrdreg $0xFFFFFFFF  }
0xa7: {  	s28 =	simm.s32 $_size_execute0_lowered;
	s3 =	sadd.s32 s3, s5;
	[dreg:$0x0] =	wrdreg $0x0  }
0xa8: {  	s5 =	sshll.u32 s28, $0x1;
	[dreg:$0x2] =	wrdreg s3  }
0xa9: {  	[dreg:$0x3] =	wrdreg s5  }
0xaa: {  	[dreg:$0x4] =	wrdreg $0xC0  }
0xab: {  	_ =	task [dreg:s7], $0x5FFFF  }
0xac: {  	[dreg:$0x1] =	wrdreg $0xFFFFFFFF  }
0xad: {  	[dreg:$0x0] =	wrdreg $0x60  }
0xae: {  	[dreg:$0x2] =	wrdreg s24  }
0xaf: {  	[dreg:$0x3] =	wrdreg s2  }
0xb0: {  	[dreg:$0x4] =	wrdreg $0xDD000  }
0xb1: {  	[dreg:$0x5] =	wrdreg $0x9  }
0xb2: {  	_ =	task.clear_ibuf [dreg:s7], $0x6FFFF;
	_ =	strace $0x90000046  }
0xb3: {  	s29 =	simm.s32 $0x9;
	_ =	strace $0x80000048  }
0xb4: {  	_ =	swait.ge [sflag:s29], $0x1  }
0xb5: {  	[sflag:s29] =	ssyncadd.s32 $0xFFFFFFFF  }
0xb6: {  	_ =	strace $0x90000048  }
0xb7: {  	_ =	sfence  }
0xb8: {  	s30 =	sld [smem:$0x0];
	_ =	sdelay $0x2  }
0xb9: {  	s31 =	sshll.u32 s1, $0xD;
	s1 =	sshrl.u32 s1, $0x2  }
0xba: {  	s3 =	sand.u32 $0x4000, s31;
	s1 =	sadd.s32 s1, s30  }
0xbb: {  	s0 =	sor.u32 s3, s0;
	s1 =	sshll.u32 s1, $0x11  }
0xbc: {  	s0 =	sor.u32 s1, s0  }
0xbd: {  	s0 =	sadd.s32 $0x8F2B, s0  }
0xbe: {  	[sflag:s0] =	ssyncadd.remote.s32 $0x1  }
0xbf: {  	_ =	sfence.sel $0xFFFF  }
0xc0: {  	[dreg:$0x0] =	wrdreg $0xFFFFFFFF;
	(pc) =	sbr.abs _section_cstart, $3  }
0xc1: {  	[dreg:$0x1] =	wrdreg $0xFFFFFFFF  }
0xc2: {  	_ =	task.clear_ibuf [dreg:s7], $0x2FFFF;
	_ =	strace $0x9FFFFFFF  }
0xc3: {  	(tm) =	ssettm $0x7FFFFFFF  }
tec
execute0_lowered:
.L_overlay_start_1:
0x0: {  	(tag) =	ssettag $0x1  }
0x1: {  	s0 =	srdreg.scid;
	s1 =	rddreg [dreg:$0x0]  }
0x2: {  	s3 =	stileid.u32;
	s5 =	rddreg [dreg:$0x1];
	s14 =	simm.s32 $0x0  }
0x3: {  	s31 =	simm.s32 $0x7EE0;
	s29 =	simm.s32 $0xADC0;
	s30 =	simm.s32 $0x1  }
0x4: {  	s28 =	simm.s32 $0x9;
	s13 =	simm.s32 $0xF;
	s9 =	smul.u32 $0x2800, s3  }
0x5: {  	s0 =	sand.u32 $0x1, s0;
	[smem:$0x7FF] =	sst s14;
	s10 =	smul.u32 $0x28, s3  }
0x6: {  	s4 =	sadd.s32 $0x15200, s1;
	s12 =	smul.u32 $0x14000, s3;
	s2 =	sshll.u32 s0, $0x4  }
0x7: {  	s8 =	smul.u32 $0x28000, s0;
	s0 =	ssub.s32 $0x2, s0;
	s6 =	sor.u32 s3, s2  }
0x8: {  	s2 =	rddreg [dreg:$0x2];
	_ =	strace $0x80000047;
	s11 =	sshrl.u32 s0, $0x1  }
0x9: {  	s18 =	sshrl.u32 s12, $0x2;
	s19 =	sadd.s32 s5, s10;
	s7 =	smul.u32 $0x2800, s6  }
0xa: {  	s10 =	simm.s32 $0x7;
	s12 =	simm.s32 $0x8;
	s15 =	smul.u32 $0x280, s6  }
0xb: {  	s8 =	sadd.s32 s9, s8;
	s0 =	ssub.s32 s0, s11;
	s6 =	smul.u32 $0x14, s6  }
0xc: {  	[dreg:$0x6] =	wrdreg s19;
	s21 =	sadd.s32 s18, s2;
	s11 =	simm.s32 $0xE  }
0xd: {  	s9 =	simm.s32 $0x0;
	s0 =	smax.u32 s0, $0x1;
	[dreg:$0x8] =	wrdreg s21  }
0xe: {  	s8 =	sshrl.u32 s8, $0x3;
	s23 =	sadd.s32 $0x1000, s21;
	[dreg:$0xb] =	wrdreg s0  }
0xf: {  	s24 =	sadd.s32 $0x2000, s21;
	s25 =	sadd.s32 $0x3000, s21;
	[dreg:$0xc] =	wrdreg s23  }
0x10: {  	s26 =	sadd.s32 $0x4000, s21;
	s21 =	simm.s32 $0x12;
	[dreg:$0xd] =	wrdreg s24  }
0x11: {  	s7 =	sshrl.u32 s7, $0x3;
	s8 =	sadd.s32 s8, s1;
	[dreg:$0xe] =	wrdreg s25  }
0x12: {  	s20 =	sadd.s32 s5, s6;
	[dreg:$0xf] =	wrdreg s26;
	s23 =	simm.s32 $0x7D  }
0x13: {  	s24 =	simm.s32 $0x5000;
	s26 =	simm.s32 $0x5FA0;
	s0 =	simm.s32 $0x8E80  }
0x14: {  	s25 =	simm.s32 $0x9E20;
	s5 =	simm.s32 $0x4;
	s6 =	simm.s32 $0xB  }
0x15: {  	s7 =	sadd.s32 s7, s1;
	[dreg:$0x7] =	wrdreg s20;
	s22 =	sadd.s32 $0x24000, s8  }
.Ltmp0:
0x16: {  	s16 =	sadd.s32 $0x1200, s7;
	[dreg:$0x9] =	wrdreg s22;
	(pc) =	sbr.rel .LBB2_1-.Ltmp0, $4  }
0x17: {  	s1 =	sadd.s32 s15, s1;
	s17 =	sadd.s32 $0xB200, s7;
	[dreg:$0x4] =	wrdreg s16  }
0x18: {  	s15 =	simm.s32 $0x12D00;
	s1 =	sadd.s32 $0x1F000, s1;
	[dreg:$0x5] =	wrdreg s17  }
0x19: {  	s8 =	simm.s32 $0xD;
	s7 =	simm.s32 $0x6;
	[dreg:$0xa] =	wrdreg s1  }
0x1a: {  	v0 =	vimm.f32 $0.0e+00;
	s16 =	simm.s32 $0x15640;
	s1 =	simm.s32 $0xBD60;
	s17 =	simm.s32 $0x2  }
.LBB2_6:
0x1b: {  	_ =	swait.ge [sflag:s10], $0xFA0  }
0x1c: {  	[sflag:s10] =	ssyncset.done $0x0  }
0x1d: {  	[sflag:s10] =	ssyncadd.s32 $0xFFFFF060  }
0x1e: {  	[spmem:s2] =	stream.indirect.scatter.add.f32 [tilespmem:s29], [sflag:$0xF], $0x20, s16, s23, $0xb8;
	[tilespmem:$0x16AE0] =	vst v63  }
0x1f: {  	_ =	swait.ge [sflag:s11], $0xFA0  }
0x20: {  	[sflag:s11] =	ssyncset.done $0x0  }
0x21: {  	[sflag:s11] =	ssyncadd.s32 $0xFFFFF060  }
0x22: {  	_ =	swait.ge [sflag:s12], $0xFA0  }
0x23: {  	[sflag:s12] =	ssyncset.done $0x0  }
0x24: {  	s3 =	sadd.s32 $0x2B80, s18;
	[sflag:s12] =	ssyncadd.s32 $0xFFFFF060  }
0x25: {  	[spmem:s2] =	stream.indirect.scatter.add.f32 [tilespmem:s1], [sflag:$0x10], $0x20, s3, s23, $0xb8;
	[tilespmem:$0x16AE0] =	vst v63  }
0x26: {  	_ =	swait.ge [sflag:s13], $0xFA0  }
0x27: {  	[sflag:s13] =	ssyncset.done $0x0  }
0x28: {  	s20 =	simm.s32 $0x10;
	[sflag:s13] =	ssyncadd.s32 $0xFFFFF060  }
0x29: {  	_ =	swait.ge [sflag:s20], $0xFA0  }
0x2a: {  	[sflag:s20] =	ssyncset.done $0x0  }
0x2b: {  	s15 =	simm.s32 $0x12D00;
	[sflag:s20] =	ssyncadd.s32 $0xFFFFF060  }
0x2c: {  	s9 =	simm.s32 $0x12E40;
	s3 =	simm.s32 $0x50;
	[bflag:$0x0] =	sbarrier.arrive $0xFFFF  }
0x2d: {  	[tilespmem:s9], [sflag:$0x1] =	stream.indirect.gather [spmem:s2], $0x20, s15, s3, $0xb8;
	[tilespmem:$0x16AE0] =	vst v63  }
0x2e: {  	s14 =	simm.s32 $0x12D50;
	s22 =	simm.s32 $0x13840  }
0x2f: {  	[tilespmem:s22], [sflag:$0x2] =	stream.indirect.gather [spmem:s2], $0x20, s14, s3, $0xb8;
	[tilespmem:$0x16AE0] =	vst v63  }
0x30: {  	s18 =	simm.s32 $0x14240;
	s16 =	simm.s32 $0x12DA0  }
0x31: {  	[tilespmem:s18], [sflag:$0x3] =	stream.indirect.gather [spmem:s2], $0x20, s16, s3, $0xb8;
	[tilespmem:$0x16AE0] =	vst v63  }
0x32: {  	s19 =	simm.s32 $0x12DF0;
	s20 =	simm.s32 $0x14C40  }
0x33: {  	[tilespmem:s20], [sflag:$0x4] =	stream.indirect.gather [spmem:s2], $0x20, s19, s3, $0xb8;
	[tilespmem:$0x16AE0] =	vst v63  }
0x34: {  	s16 =	simm.s32 $0x15640;
	s18 =	simm.s32 $0x156E0  }
0x35: {  	[tilespmem:s18], [sflag:$0x5] =	stream.indirect.gather [hbm4b:s4+s3], $0x20, s16, s3, $0xb8;
	[tilespmem:$0x16AE0] =	vst v63  }
0x36: {  	s22 =	simm.s32 $0x15690;
	s19 =	simm.s32 $0x160E0  }
0x37: {  	[tilespmem:s19], [sflag:$0x6] =	stream.indirect.gather [hbm4b:s4+s3], $0x20, s22, s3, $0xb8;
	[tilespmem:$0x16AE0] =	vst v63  }
0x38: {  	_ =	swait.ge [sflag:s30], $0xA00  }
0x39: {  	[sflag:s30] =	ssyncset.done $0x0  }
0x3a: {  	[sflag:s30] =	ssyncadd.s32 $0xFFFFF600  }
0x3b: {  	_ =	swait.ge [sflag:s17], $0xA00  }
0x3c: {  	[sflag:s17] =	ssyncset.done $0x0  }
0x3d: {  	s19 =	simm.s32 $0x3;
	[sflag:s17] =	ssyncadd.s32 $0xFFFFF600  }
0x3e: {  	_ =	swait.ge [sflag:s19], $0xA00  }
0x3f: {  	[sflag:s19] =	ssyncset.done $0x0  }
0x40: {  	[sflag:s19] =	ssyncadd.s32 $0xFFFFF600  }
0x41: {  	_ =	swait.ge [sflag:s5], $0xA00  }
0x42: {  	[sflag:s5] =	ssyncset.done $0x0  }
0x43: {  	s20 =	simm.s32 $0x5;
	[sflag:s5] =	ssyncadd.s32 $0xFFFFF600  }
0x44: {  	_ =	swait.ge [sflag:s20], $0xA00  }
0x45: {  	[sflag:s20] =	ssyncset.done $0x0  }
0x46: {  	[sflag:s20] =	ssyncadd.s32 $0xFFFFF600  }
0x47: {  	_ =	swait.ge [sflag:s7], $0xA00  }
0x48: {  	[sflag:s7] =	ssyncset.done $0x0  }
0x49: {  	s14 =	simm.s32 $0x0;
	s22 =	rddreg [dreg:$0x9];
	[sflag:s7] =	ssyncadd.s32 $0xFFFFF600  }
0x4a: {  	[hbm4b:s22+s14] =	stream.linear.scatter [tilespmem:s9], [sflag:$0x12], $0x2800, $0x38;
	[tilespmem:$0x16AE0] =	vst v63  }
0x4b: {  	_ =	swait.ge [sflag:s21], $0x2800  }
0x4c: {  	[sflag:s21] =	ssyncset.done $0x0  }
0x4d: {  	s19 =	rddreg [dreg:$0xa];
	[sflag:s21] =	ssyncadd.s32 $0xFFFFD800  }
0x4e: {  	[hbm4b:s19+s14] =	stream.linear.scatter [tilespmem:s18], [sflag:$0x12], $0x1400, $0x38;
	[tilespmem:$0x16AE0] =	vst v63  }
0x4f: {  	_ =	swait.ge [sflag:s21], $0x1400  }
0x50: {  	s20 =	rddreg [dreg:$0x10]  }
0x51: {  	s22 =	rddreg [dreg:$0xb];
	s9 =	sadd.s32 $0x1, s20  }
0x52: {  	p0 =	sne.s32 s9, s22  }
.Ltmp1:
0x53: {  	_ = 	snop;
	(pc) =	sbr.rel @!p0 .LBB2_7-.Ltmp1, $3  }
0x54: {  	_ =	sdelay $0x1  }
0x55: {  	[sflag:s21] =	ssyncset.done $0x0  }
0x56: {  	[sflag:s21] =	ssyncadd.s32 $0xFFFFEC00  }
.LBB2_1:
0x57: {  	s3 =	rddreg [dreg:$0x4]  }
0x58: {  	[tilespmem:s14], [sflag:$0x11] =	stream.linear.gather [hbm4b:s3+s14], $0x2800, $0x38;
	[tilespmem:$0x16AE0] =	vst v63  }
0x59: {  	s18 =	rddreg [dreg:$0x5];
	s19 =	simm.s32 $0x2800  }
0x5a: {  	[tilespmem:s19], [sflag:$0x11] =	stream.linear.gather [hbm4b:s18+s14], $0x2800, $0x38;
	[tilespmem:$0x16AE0] =	vst v63  }
0x5b: {  	s20 =	rddreg [dreg:$0x6]  }
0x5c: {  	[tilespmem:s15], [sflag:$0x11] =	stream.linear.gather [hbm4b:s20+s14], $0x140, $0x38;
	[tilespmem:$0x16AE0] =	vst v63  }
0x5d: {  	s22 =	rddreg [dreg:$0x7]  }
0x5e: {  	[tilespmem:s16], [sflag:$0x11] =	stream.linear.gather [hbm4b:s22+s14], $0xA0, $0x38;
	[tilespmem:$0x16AE0] =	vst v63  }
0x5f: {  	[dreg:$0x10] =	wrdreg s9;
	s15 =	simm.s32 $0x80;
	s16 =	simm.s32 $0x0  }
.LBB2_2:
0x60: {  	p0 =	sne.s32 s15, $0x3F80;
	[tilespmem:s16+$0xCD00] =	vst v0;
	s18 =	smov.u32 s15;
	s15 =	sadd.s32 $0x80, s15  }
.Ltmp2:
0x61: {  	[tilespmem:s16+$0xCD10] =	vst v0;
	(pc) =	sbr.rel @p0 .LBB2_2-.Ltmp2, $2  }
0x62: {  	_ =	sdelay $0x2  }
0x63: {  	s16 =	sshra.s32 s18, $0x2  }
0x64: {  	[tilespmem:s16+$0xCD00] =	vst v0  }
0x65: {  	[tilespmem:s16+$0xCD10] =	vst v0;
	s3 =	rddreg [dreg:$0x8];
	s9 =	simm.s32 $0xCD00  }
0x66: {  	[spmem:s3] =	stream.linear.scatter [tilespmem:s9], [sflag:$0x12], $0x1000, $0x38;
	[tilespmem:$0x16AE0] =	vst v63  }
0x67: {  	_ =	swait.ge [sflag:s21], $0x1000  }
0x68: {  	[sflag:s21] =	ssyncset.done $0x0  }
0x69: {  	s16 =	rddreg [dreg:$0xc];
	[sflag:s21] =	ssyncadd.s32 $0xFFFFF000  }
0x6a: {  	[spmem:s16] =	stream.linear.scatter [tilespmem:s9], [sflag:$0x12], $0x1000, $0x38;
	[tilespmem:$0x16AE0] =	vst v63  }
0x6b: {  	_ =	swait.ge [sflag:s21], $0x1000  }
0x6c: {  	[sflag:s21] =	ssyncset.done $0x0  }
0x6d: {  	s18 =	rddreg [dreg:$0xd];
	[sflag:s21] =	ssyncadd.s32 $0xFFFFF000  }
0x6e: {  	[spmem:s18] =	stream.linear.scatter [tilespmem:s9], [sflag:$0x12], $0x1000, $0x38;
	[tilespmem:$0x16AE0] =	vst v63  }
0x6f: {  	_ =	swait.ge [sflag:s21], $0x1000  }
0x70: {  	[sflag:s21] =	ssyncset.done $0x0  }
0x71: {  	s19 =	rddreg [dreg:$0xe];
	[sflag:s21] =	ssyncadd.s32 $0xFFFFF000  }
0x72: {  	[spmem:s19] =	stream.linear.scatter [tilespmem:s9], [sflag:$0x12], $0x1000, $0x38;
	[tilespmem:$0x16AE0] =	vst v63  }
0x73: {  	_ =	swait.ge [sflag:s21], $0x1000  }
0x74: {  	[sflag:s21] =	ssyncset.done $0x0  }
0x75: {  	s20 =	rddreg [dreg:$0xf];
	[sflag:s21] =	ssyncadd.s32 $0xFFFFF000  }
0x76: {  	[spmem:s20] =	stream.linear.scatter [tilespmem:s9], [sflag:$0x12], $0x1000, $0x38;
	[tilespmem:$0x16AE0] =	vst v63  }
0x77: {  	_ =	swait.ge [sflag:s21], $0x1000  }
0x78: {  	[sflag:s21] =	ssyncset.done $0x0  }
0x79: {  	s22 =	simm.s32 $0x11;
	[sflag:s21] =	ssyncadd.s32 $0xFFFFF000  }
0x7a: {  	_ =	swait.ge [sflag:s22], $0x2800  }
0x7b: {  	[sflag:s22] =	ssyncset.done $0x0  }
0x7c: {  	[sflag:s22] =	ssyncadd.s32 $0xFFFFD800  }
0x7d: {  	_ =	swait.ge [sflag:s22], $0x2800  }
0x7e: {  	[sflag:s22] =	ssyncset.done $0x0  }
0x7f: {  	[sflag:s22] =	ssyncadd.s32 $0xFFFFD800  }
0x80: {  	_ =	swait.ge [sflag:s22], $0x140  }
0x81: {  	[sflag:s22] =	ssyncset.done $0x0  }
0x82: {  	[sflag:s22] =	ssyncadd.s32 $0xFFFFFEC0  }
0x83: {  	_ =	swait.ge [sflag:s22], $0xA0  }
0x84: {  	[sflag:s22] =	ssyncset.done $0x0  }
0x85: {  	[sflag:s22] =	ssyncadd.s32 $0xFFFFFF60  }
0x86: {  	s15 =	simm.s32 $0x0;
	[bflag:$0x0] =	sbarrier.arrive $0xFFFF  }
0x87: {  	[tilespmem:s24], [sflag:$0x1] =	stream.indirect.gather [hbm4b:s4+s23], $0x20, s15, s23, $0xb8;
	[tilespmem:$0x16AE0] =	vst v63  }
0x88: {  	s9 =	simm.s32 $0x80  }
0x89: {  	[tilespmem:s26], [sflag:$0x2] =	stream.indirect.gather [hbm4b:s4+s23], $0x20, s9, s23, $0xb8;
	[tilespmem:$0x16AE0] =	vst v63  }
0x8a: {  	s14 =	simm.s32 $0x100;
	s16 =	simm.s32 $0x6F40  }
0x8b: {  	[tilespmem:s16], [sflag:$0x3] =	stream.indirect.gather [hbm4b:s4+s23], $0x20, s14, s23, $0xb8;
	[tilespmem:$0x16AE0] =	vst v63  }
0x8c: {  	s18 =	simm.s32 $0x180  }
0x8d: {  	[tilespmem:s31], [sflag:$0x4] =	stream.indirect.gather [hbm4b:s4+s23], $0x20, s18, s23, $0xb8;
	[tilespmem:$0x16AE0] =	vst v63  }
0x8e: {  	s19 =	simm.s32 $0x200  }
0x8f: {  	[tilespmem:s0], [sflag:$0x5] =	stream.indirect.gather [hbm4b:s4+s23], $0x20, s19, s23, $0xb8;
	[tilespmem:$0x16AE0] =	vst v63  }
0x90: {  	s20 =	simm.s32 $0x280  }
0x91: {  	[tilespmem:s25], [sflag:$0x6] =	stream.indirect.gather [hbm4b:s4+s23], $0x20, s20, s23, $0xb8;
	[tilespmem:$0x16AE0] =	vst v63  }
0x92: {  	s22 =	simm.s32 $0x300  }
0x93: {  	[tilespmem:s29], [sflag:$0x7] =	stream.indirect.gather [hbm4b:s4+s23], $0x20, s22, s23, $0xb8;
	[tilespmem:$0x16AE0] =	vst v63  }
.LBB2_4:
0x94: {  	_ =	swait.ge [sflag:s30], $0xFA0  }
0x95: {  	s18 =	sshra.s32 s15, $0x2;
	[sflag:s30] =	ssyncset.done $0x0  }
0x96: {  	p0 =	seq.s32 s15, $0x0;
	s16 =	sadd.s32 $0x2800, s18;
	[sflag:s30] =	ssyncadd.s32 $0xFFFFF060  }
0x97: {  	[spmem:s2] =	stream.indirect.scatter.add.f32 [tilespmem:s24], [sflag:$0x9], $0x20, s16, s23, $0xb8;
	[tilespmem:$0x16AE0] =	vst v63  }
0x98: {  	s16 =	simm.s32 @!p0 $0x10  }
0x99: {  	_ =	swait.ge @!p0 [sflag:s16], $0xFA0  }
0x9a: {  	[sflag:s16] =	ssyncset.done @!p0 $0x0  }
0x9b: {  	s9 =	sadd.s32 $0x380, s18;
	[sflag:s16] =	ssyncadd.s32 @!p0 $0xFFFFF060  }
0x9c: {  	[tilespmem:s1], [sflag:$0x8] =	stream.indirect.gather [hbm4b:s4+s23], $0x20, s9, s23, $0xb8;
	[tilespmem:$0x16AE0] =	vst v63  }
0x9d: {  	_ =	swait.ge [sflag:s17], $0xFA0  }
0x9e: {  	[sflag:s17] =	ssyncset.done $0x0  }
0x9f: {  	s14 =	sadd.s32 $0x2880, s18;
	[sflag:s17] =	ssyncadd.s32 $0xFFFFF060  }
0xa0: {  	[spmem:s2] =	stream.indirect.scatter.add.f32 [tilespmem:s26], [sflag:$0xA], $0x20, s14, s23, $0xb8;
	[tilespmem:$0x16AE0] =	vst v63  }
0xa1: {  	_ =	swait.ge [sflag:s28], $0xFA0  }
0xa2: {  	p0 =	seq.s32 s15, $0x9000;
	[sflag:s28] =	ssyncset.done $0x0  }
0xa3: {  	s16 =	simm.s32 @p0 $0x3;
	[sflag:s28] =	ssyncadd.s32 $0xFFFFF060  }
0xa4: {  	_ =	swait.ge @p0 [sflag:s16], $0xFA0  }
0xa5: {  	[sflag:s16] =	ssyncset.done @p0 $0x0  }
0xa6: {  	[sflag:s16] =	ssyncadd.s32 @p0 $0xFFFFF060;
	s16 =	sshra.s32 @p0 s15, $0x2  }
0xa7: {  	s20 =	simm.s32 @p0 $0x7D;
	s3 =	simm.s32 @p0 $0x6F40;
	s9 =	sadd.s32 @p0 $0x2900, s16  }
0xa8: {  	[spmem:s2] =	stream.indirect.scatter.add.f32 @p0 [tilespmem:s3], [sflag:$0xB], $0x20, s9, s20, $0xb8;
	[tilespmem:$0x16AE0] =	vst v63  }
0xa9: {  	s3 =	simm.s32 @p0 $0xA  }
0xaa: {  	_ =	swait.ge @p0 [sflag:s3], $0xFA0  }
0xab: {  	[sflag:s3] =	ssyncset.done @p0 $0x0  }
0xac: {  	[sflag:s3] =	ssyncadd.s32 @p0 $0xFFFFF060;
	s3 =	sshra.s32 @!p0 s15, $0x2  }
0xad: {  	s22 =	simm.s32 @!p0 $0x5000;
	s14 =	simm.s32 @!p0 $0x7D;
	s9 =	sadd.s32 @!p0 $0x400, s3  }
0xae: {  	[tilespmem:s22], [sflag:$0x1] =	stream.indirect.gather @!p0 [hbm4b:s4+s14], $0x20, s9, s14, $0xb8;
	[tilespmem:$0x16AE0] =	vst v63  }
0xaf: {  	s9 =	simm.s32 @!p0 $0x3  }
0xb0: {  	_ =	swait.ge @!p0 [sflag:s9], $0xFA0  }
0xb1: {  	[sflag:s9] =	ssyncset.done @!p0 $0x0  }
0xb2: {  	s22 =	simm.s32 @!p0 $0x6F40;
	[sflag:s9] =	ssyncadd.s32 @!p0 $0xFFFFF060;
	s9 =	sadd.s32 @!p0 $0x2900, s3  }
0xb3: {  	[spmem:s2] =	stream.indirect.scatter.add.f32 @!p0 [tilespmem:s22], [sflag:$0xB], $0x20, s9, s14, $0xb8;
	[tilespmem:$0x16AE0] =	vst v63  }
0xb4: {  	s9 =	simm.s32 @!p0 $0xA  }
0xb5: {  	_ =	swait.ge @!p0 [sflag:s9], $0xFA0  }
0xb6: {  	[sflag:s9] =	ssyncset.done @!p0 $0x0  }
0xb7: {  	s19 =	simm.s32 @!p0 $0x5FA0;
	[sflag:s9] =	ssyncadd.s32 @!p0 $0xFFFFF060;
	s9 =	sadd.s32 @!p0 $0x480, s3  }
0xb8: {  	[tilespmem:s19], [sflag:$0x2] =	stream.indirect.gather @!p0 [hbm4b:s4+s14], $0x20, s9, s14, $0xb8;
	[tilespmem:$0x16AE0] =	vst v63  }
0xb9: {  	_ =	swait.ge [sflag:s5], $0xFA0  }
0xba: {  	[sflag:s5] =	ssyncset.done $0x0  }
0xbb: {  	s19 =	sadd.s32 $0x2980, s18;
	[sflag:s5] =	ssyncadd.s32 $0xFFFFF060  }
0xbc: {  	[spmem:s2] =	stream.indirect.scatter.add.f32 [tilespmem:s31], [sflag:$0xC], $0x20, s19, s23, $0xb8;
	[tilespmem:$0x16AE0] =	vst v63  }
0xbd: {  	_ =	swait.ge [sflag:s6], $0xFA0  }
0xbe: {  	[sflag:s6] =	ssyncset.done $0x0  }
0xbf: {  	s9 =	simm.s32 @p0 $0x5;
	[sflag:s6] =	ssyncadd.s32 $0xFFFFF060  }
0xc0: {  	_ =	swait.ge @p0 [sflag:s9], $0xFA0  }
0xc1: {  	[sflag:s9] =	ssyncset.done @p0 $0x0  }
0xc2: {  	[sflag:s9] =	ssyncadd.s32 @p0 $0xFFFFF060;
	s9 =	sadd.s32 @p0 $0x2A00, s16;
	s16 =	simm.s32 @p0 $0x8E80  }
0xc3: {  	[spmem:s2] =	stream.indirect.scatter.add.f32 @p0 [tilespmem:s16], [sflag:$0xD], $0x20, s9, s20, $0xb8;
	[tilespmem:$0x16AE0] =	vst v63  }
0xc4: {  	s9 =	simm.s32 @p0 $0xC  }
0xc5: {  	_ =	swait.ge @p0 [sflag:s9], $0xFA0  }
0xc6: {  	[sflag:s9] =	ssyncset.done @p0 $0x0  }
0xc7: {  	[sflag:s9] =	ssyncadd.s32 @p0 $0xFFFFF060;
	s9 =	sadd.s32 @!p0 $0x500, s3  }
0xc8: {  	[tilespmem:s22], [sflag:$0x3] =	stream.indirect.gather @!p0 [hbm4b:s4+s14], $0x20, s9, s14, $0xb8;
	[tilespmem:$0x16AE0] =	vst v63  }
0xc9: {  	s9 =	simm.s32 @!p0 $0x5  }
0xca: {  	_ =	swait.ge @!p0 [sflag:s9], $0xFA0  }
0xcb: {  	[sflag:s9] =	ssyncset.done @!p0 $0x0  }
0xcc: {  	s16 =	simm.s32 @!p0 $0x8E80;
	[sflag:s9] =	ssyncadd.s32 @!p0 $0xFFFFF060;
	s9 =	sadd.s32 @!p0 $0x2A00, s3  }
0xcd: {  	[spmem:s2] =	stream.indirect.scatter.add.f32 @!p0 [tilespmem:s16], [sflag:$0xD], $0x20, s9, s14, $0xb8;
	[tilespmem:$0x16AE0] =	vst v63  }
0xce: {  	s9 =	simm.s32 @!p0 $0xC  }
0xcf: {  	_ =	swait.ge @!p0 [sflag:s9], $0xFA0  }
0xd0: {  	[sflag:s9] =	ssyncset.done @!p0 $0x0  }
0xd1: {  	s3 =	sadd.s32 @!p0 $0x580, s3;
	[sflag:s9] =	ssyncadd.s32 @!p0 $0xFFFFF060;
	s9 =	simm.s32 @!p0 $0x7EE0  }
0xd2: {  	[tilespmem:s9], [sflag:$0x4] =	stream.indirect.gather @!p0 [hbm4b:s4+s14], $0x20, s3, s14, $0xb8;
	[tilespmem:$0x16AE0] =	vst v63  }
0xd3: {  	_ =	swait.ge [sflag:s7], $0xFA0  }
0xd4: {  	[sflag:s7] =	ssyncset.done $0x0  }
.Ltmp3:
0xd5: {  	s22 =	sadd.s32 $0x2A80, s18;
	[sflag:s7] =	ssyncadd.s32 $0xFFFFF060;
	(pc) =	sbr.rel @p0 .LBB2_6-.Ltmp3, $4  }
0xd6: {  	[spmem:s2] =	stream.indirect.scatter.add.f32 [tilespmem:s25], [sflag:$0xE], $0x20, s22, s23, $0xb8;
	[tilespmem:$0x16AE0] =	vst v63  }
0xd7: {  	_ =	swait.ge [sflag:s8], $0xFA0  }
0xd8: {  	[sflag:s8] =	ssyncset.done $0x0  }
0xd9: {  	s16 =	sadd.s32 $0x2B00, s18;
	[sflag:s8] =	ssyncadd.s32 $0xFFFFF060  }
0xda: {  	s3 =	sadd.s32 $0x600, s18  }
0xdb: {  	[tilespmem:s0], [sflag:$0x5] =	stream.indirect.gather [hbm4b:s4+s23], $0x20, s3, s23, $0xb8;
	[tilespmem:$0x16AE0] =	vst v63  }
0xdc: {  	_ =	swait.ge [sflag:s10], $0xFA0  }
0xdd: {  	[sflag:s10] =	ssyncset.done $0x0  }
0xde: {  	[sflag:s10] =	ssyncadd.s32 $0xFFFFF060  }
0xdf: {  	[spmem:s2] =	stream.indirect.scatter.add.f32 [tilespmem:s29], [sflag:$0xF], $0x20, s16, s23, $0xb8;
	[tilespmem:$0x16AE0] =	vst v63  }
0xe0: {  	_ =	swait.ge [sflag:s11], $0xFA0  }
0xe1: {  	[sflag:s11] =	ssyncset.done $0x0  }
0xe2: {  	s19 =	sadd.s32 $0x680, s18;
	[sflag:s11] =	ssyncadd.s32 $0xFFFFF060  }
0xe3: {  	[tilespmem:s25], [sflag:$0x6] =	stream.indirect.gather [hbm4b:s4+s23], $0x20, s19, s23, $0xb8;
	[tilespmem:$0x16AE0] =	vst v63  }
0xe4: {  	_ =	swait.ge [sflag:s12], $0xFA0  }
0xe5: {  	[sflag:s12] =	ssyncset.done $0x0  }
0xe6: {  	s20 =	sadd.s32 $0x2B80, s18;
	[sflag:s12] =	ssyncadd.s32 $0xFFFFF060  }
0xe7: {  	[spmem:s2] =	stream.indirect.scatter.add.f32 [tilespmem:s1], [sflag:$0x10], $0x20, s20, s23, $0xb8;
	[tilespmem:$0x16AE0] =	vst v63  }
.Ltmp4:
0xe8: {  	_ = 	snop;
	(pc) =	sbr.rel .LBB2_4-.Ltmp4, $4  }
0xe9: {  	_ =	swait.ge [sflag:s13], $0xFA0  }
0xea: {  	[sflag:s13] =	ssyncset.done $0x0  }
0xeb: {  	s22 =	sadd.s32 $0x700, s18;
	s15 =	sadd.s32 $0x1000, s15;
	[sflag:s13] =	ssyncadd.s32 $0xFFFFF060  }
0xec: {  	[tilespmem:s29], [sflag:$0x7] =	stream.indirect.gather [hbm4b:s4+s23], $0x20, s22, s23, $0xb8;
	[tilespmem:$0x16AE0] =	vst v63  }
.LBB2_7:
0xed: {  	_ =	sfence.sel $0x180000  }
0xee: {  	[bflag:$0x0] =	sbarrier.arrive $0xFFFF  }
0xef: {  	_ =	strace $0x90000047  }
0xf0: {  	s0 =	stileid.u32;
	[bflag:$0x2] =	sbarrier.arrive $0xFFFF  }
0xf1: {  	p0 =	sne.s32 s0, $0x0;
	s0 =	rddreg [dreg:$0x3]  }
0xf2: {  	s0 =	sadd.s32 @!p0 $0x100000, s0  }
0xf3: {  	[sflag:s0] =	ssyncadd.tile.s32 @!p0 $0x1;
	_ =	shalt  }
.Lfunc_end2:
_tile_overlayer_lowered:
.L_overlay_start_2:
0xf4: {  	(tag) =	ssettag $0x2  }
0xf5: {  	s0 =	rddreg [dreg:$0x0];
	s2 =	stileid.u32  }
0xf6: {  	s1 =	rddreg [dreg:$0x1];
	p0 =	sne.s32 s2, $0x0  }
0xf7: {  	s3 =	rddreg [dreg:$0x2];
	[bflag:$0x3] =	sbarrier.arrive $0xFFFF;
	s2 =	simm.s32 @!p0 $0x1C12  }
0xf8: {  	[timem:s3], [sflag:s2] =	dma.local @!p0 [hbm:s0], s1  }
0xf9: {  	s0 =	simm.s32 @!p0 $0x12  }
0xfa: {  	_ =	swait.ge @!p0 [sflag:s0], s1  }
0xfb: {  	s1 =	ssub.s32 @!p0 $0x0, s1;
	[sflag:s0] =	ssyncset.done @!p0 $0x0  }
0xfc: {  	[sflag:s0] =	ssyncadd.s32 @!p0 s1  }
0xfd: {  	[bflag:$0x3] =	sbarrier.arrive $0xFFFF  }
0xfe: {  	_ =	shalt  }

</sc_bundles>
